<compile_context>
chip_gen: v7x
topology: tpu7x:2x2x1
jax: 0.10.2.dev20260603
libtpu: 0.0.44.dev20260713+nightly
codegen_flags: <defaults>
</compile_context>

<pallas_src>
import functools

import jax
import jax.numpy as jnp
from jax import lax
from jax.experimental import pallas as pl
from jax.experimental.pallas import tpu as pltpu
from jax.experimental.pallas import tpu_sc as plsc

NUM_USERS = 100000
NUM_ITEMS = 1000000
D = 128
B = 16384

NC = 2
NS = 16
NW = NC * NS
BPW = B // NW
CH = 128
NCHUNK = BPW // CH
GRP = 4

_PERM_DN = lax.GatherDimensionNumbers(
    offset_dims=(), collapsed_slice_dims=(0,), start_index_map=(0,))


def _vperm(x, idx):
    return lax.gather(x, idx[:, None], _PERM_DN, slice_sizes=(1,),
                      mode=lax.GatherScatterMode.PROMISE_IN_BOUNDS)


def _gmf_body(uid_hbm, iid_hbm, ut_hbm, it_hbm, w_hbm, out_hbm,
              uid_v, iid_v, urows, irows, w_v, logit_v, out_v, sems, sems2):
    wid = lax.axis_index("s") * NC + lax.axis_index("c")
    base = wid * BPW
    cu0 = pltpu.async_copy(uid_hbm.at[pl.ds(base, BPW)], uid_v, sems2.at[0])
    ci0 = pltpu.async_copy(iid_hbm.at[pl.ds(base, BPW)], iid_v, sems2.at[1])
    cw0 = pltpu.async_copy(w_hbm, w_v, sems2.at[2])
    zero = jnp.zeros((16,), jnp.float32)
    lane = lax.iota(jnp.int32, 16)

    def zero_blk(g, carry):
        logit_v[pl.ds(g * 16, 16)] = zero
        return carry

    lax.fori_loop(0, BPW // 16, zero_blk, 0)
    cu0.wait()
    ci0.wait()
    cw0.wait()
    w_regs = [w_v[pl.ds(j * 16, 16)] for j in range(D // 16)]

    def start(c, buf):
        cu = pltpu.async_copy(ut_hbm.at[uid_v.at[pl.ds(c * CH, CH)]],
                              urows.at[buf], sems.at[buf, 0])
        ci = pltpu.async_copy(it_hbm.at[iid_v.at[pl.ds(c * CH, CH)]],
                              irows.at[buf], sems.at[buf, 1])
        return cu, ci

    def wait(c, buf):
        pltpu.make_async_copy(ut_hbm.at[uid_v.at[pl.ds(c * CH, CH)]],
                              urows.at[buf], sems.at[buf, 0]).wait()
        pltpu.make_async_copy(it_hbm.at[iid_v.at[pl.ds(c * CH, CH)]],
                              irows.at[buf], sems.at[buf, 1]).wait()

    start(0, 0)

    def step(t, carry):
        c = t // (CH // GRP)
        tt = t % (CH // GRP)
        buf = c % 2

        @pl.when(tt == 0)
        def _():
            @pl.when(c + 1 < NCHUNK)
            def __():
                start(c + 1, 1 - buf)

            wait(c, buf)

        u_c = urows.at[buf]
        i_c = irows.at[buf]
        off = (tt % (16 // GRP)) * GRP
        s = zero
        for e in range(GRP):
            b = tt * GRP + e
            acc = zero
            for j in range(D // 16):
                ks = pl.ds(j * 16, 16)
                acc = acc + u_c[b, ks] * i_c[b, ks] * w_regs[j]
            for sh in (8, 4, 2, 1):
                acc = acc + _vperm(acc, lane ^ sh)
            s = jnp.where(lane == off + e, acc, s)
        dst = pl.ds(c * CH + (tt // (16 // GRP)) * 16, 16)
        logit_v[dst] = logit_v[dst] + s
        return carry

    lax.fori_loop(0, NCHUNK * (CH // GRP), step, 0)

    def sig_blk(g, carry):
        s = logit_v[pl.ds(g * 16, 16)]
        out_v[pl.ds(g * 16, 16)] = 1.0 / (1.0 + jnp.exp(-s))
        return carry

    lax.fori_loop(0, BPW // 16, sig_blk, 0)

    pltpu.sync_copy(out_v, out_hbm.at[pl.ds(base, BPW)])


@functools.partial(
    pl.kernel,
    out_type=jax.ShapeDtypeStruct((B,), jnp.float32),
    mesh=plsc.VectorSubcoreMesh(core_axis_name="c", subcore_axis_name="s"),
    scratch_types=[
        pltpu.VMEM((BPW,), jnp.int32),
        pltpu.VMEM((BPW,), jnp.int32),
        pltpu.VMEM((2, CH, D), jnp.float32),
        pltpu.VMEM((2, CH, D), jnp.float32),
        pltpu.VMEM((D,), jnp.float32),
        pltpu.VMEM((BPW,), jnp.float32),
        pltpu.VMEM((BPW,), jnp.float32),
        pltpu.SemaphoreType.DMA((2, 2)),
        pltpu.SemaphoreType.DMA((3,)),
    ],
)
def _gmf(uid_hbm, iid_hbm, ut_hbm, it_hbm, w_hbm, out_hbm,
         uid_v, iid_v, urows, irows, w_v, logit_v, out_v, sems, sems2):
    _gmf_body(uid_hbm, iid_hbm, ut_hbm, it_hbm, w_hbm, out_hbm,
              uid_v, iid_v, urows, irows, w_v, logit_v, out_v, sems, sems2)


def kernel(user_ids, item_ids, embed_user, embed_item, fc_w):
    return _gmf(user_ids.astype(jnp.int32), item_ids.astype(jnp.int32),
                embed_user, embed_item, fc_w.reshape(D))

# --- scband reference (transcript-rebuilt; emitter-appended) ---
"""Pipeline reference for scband-gmf-14113262534699 (READ-ONLY COPY).

The authoritative reference and input builder live on the scoring server;
editing this copy changes nothing except your own understanding.
"""

import jax, jax.numpy as jnp
import numpy as np

NUM_USERS = 100000
NUM_ITEMS = 1000000
EMBED_DIM = 128
BATCH = 16384


def setup_inputs(seed: int = 0) -> dict:
    key = jax.random.key(seed)
    k1, k2, k3, k4, k5 = jax.random.split(key, 5)
    user_ids = jax.random.randint(k1, (BATCH,), 0, NUM_USERS, dtype=jnp.int64) if jax.config.jax_enable_x64 else jax.random.randint(k1, (BATCH,), 0, NUM_USERS, dtype=jnp.int32)
    item_ids = jax.random.randint(k2, (BATCH,), 0, NUM_ITEMS, dtype=jnp.int64) if jax.config.jax_enable_x64 else jax.random.randint(k2, (BATCH,), 0, NUM_ITEMS, dtype=jnp.int32)
    embed_user = jax.random.normal(k3, (NUM_USERS, EMBED_DIM), dtype=jnp.float32) * 0.01
    embed_item = jax.random.normal(k4, (NUM_ITEMS, EMBED_DIM), dtype=jnp.float32) * 0.01
    fc_w = jax.random.normal(k5, (1, EMBED_DIM), dtype=jnp.float32) * 0.01
    return {
        "user_ids": user_ids,
        "item_ids": item_ids,
        "embed_user": embed_user,
        "embed_item": embed_item,
        "fc_w": fc_w,
    }


def reference(user_ids, item_ids, embed_user, embed_item, fc_w):
    # embedding lookups (gather)
    p_u = jnp.take(embed_user, user_ids, axis=0)  # (B, K)
    q_i = jnp.take(embed_item, item_ids, axis=0)  # (B, K)
    interaction = p_u * q_i                        # (B, K)
    # nn.Linear(embed_dim, 1, bias=False): y = x @ W^T, W shape (1, K)
    logits = interaction @ fc_w.T                  # (B, 1)
    score = jax.nn.sigmoid(logits)
    return jnp.squeeze(score, axis=-1)             # (B,)

if __name__ == "__main__":
    import jax
    _d = setup_inputs()
    print(jax.jit(kernel)(*tuple(_d.values())))

</pallas_src>

<mosaic_0001>
#map = affine_map<(d0, d1) -> (0)>
#map1 = affine_map<(d0, d1) -> (0, 0)>
module attributes {stable_mosaic.version = 14 : i64} {
  func.func @_gmf(%arg0: i32, %arg1: i32, %arg2: memref<16384xi32, #tpu.memory_space<hbm>>, %arg3: memref<16384xi32, #tpu.memory_space<hbm>>, %arg4: memref<100000x128xf32, #tpu.memory_space<hbm>>, %arg5: memref<1000000x128xf32, #tpu.memory_space<hbm>>, %arg6: memref<128xf32, #tpu.memory_space<hbm>>, %arg7: memref<16384xf32, #tpu.memory_space<hbm>>, %arg8: memref<512xi32, #tpu.memory_space<vmem>>, %arg9: memref<512xi32, #tpu.memory_space<vmem>>, %arg10: memref<2x128x128xf32, #tpu.memory_space<vmem>>, %arg11: memref<2x128x128xf32, #tpu.memory_space<vmem>>, %arg12: memref<128xf32, #tpu.memory_space<vmem>>, %arg13: memref<512xf32, #tpu.memory_space<vmem>>, %arg14: memref<512xf32, #tpu.memory_space<vmem>>, %arg15: memref<2x2x!tpu.dma_semaphore, #tpu.memory_space<semaphore_mem>>, %arg16: memref<3x!tpu.dma_semaphore, #tpu.memory_space<semaphore_mem>>) attributes {dimension_semantics = [#tpu.dimension_semantics<core_parallel>, #tpu.dimension_semantics<subcore_parallel>], iteration_bounds = array<i64: 2, 16>, scalar_prefetch = 0 : i64, scratch_operands = 9 : i64, tpu.core_type = #tpu.core_type<sc_vector_subcore>, window_params = [{transform_indices = #map}, {transform_indices = #map}, {transform_indices = #map1}, {transform_indices = #map1}, {transform_indices = #map}, {transform_indices = #map}]} {
    %mul3A = arith.constant 2 : i32
    %mul3A_0 = arith.muli %arg1, %mul3A : i32
    %add3A = arith.addi %mul3A_0, %arg0 : i32
    %mul3A_1 = arith.constant 512 : i32
    %mul3A_2 = arith.muli %add3A, %mul3A_1 : i32
    %dma_start3A = arith.constant 0 : i32
    %dma_start3A_3 = tpu.memref_slice %arg2[%mul3A_2] : memref<16384xi32, #tpu.memory_space<hbm>> -> memref<512xi32, #tpu.memory_space<hbm>>
    %dma_start3A_4 = tpu.memref_slice %arg16[%dma_start3A] : memref<3x!tpu.dma_semaphore, #tpu.memory_space<semaphore_mem>> -> memref<1x!tpu.dma_semaphore, #tpu.memory_space<semaphore_mem>>
    %dma_start3A_5 = tpu.memref_squeeze %dma_start3A_4 : memref<1x!tpu.dma_semaphore, #tpu.memory_space<semaphore_mem>> -> memref<!tpu.dma_semaphore, #tpu.memory_space<semaphore_mem>>
    %dma_start3A_6 = tpu.memref_slice %arg2[%mul3A_2] : memref<16384xi32, #tpu.memory_space<hbm>> -> memref<512xi32, #tpu.memory_space<hbm>>
    tpu.enqueue_dma source(%dma_start3A_6 : memref<512xi32, #tpu.memory_space<hbm>>) target(%arg8 : memref<512xi32, #tpu.memory_space<vmem>>) target_semaphore(%dma_start3A_5 : memref<!tpu.dma_semaphore, #tpu.memory_space<semaphore_mem>>)
    %dma_start3A_7 = arith.constant 1 : i32
    %dma_start3A_8 = tpu.memref_slice %arg3[%mul3A_2] : memref<16384xi32, #tpu.memory_space<hbm>> -> memref<512xi32, #tpu.memory_space<hbm>>
    %dma_start3A_9 = tpu.memref_slice %arg16[%dma_start3A_7] : memref<3x!tpu.dma_semaphore, #tpu.memory_space<semaphore_mem>> -> memref<1x!tpu.dma_semaphore, #tpu.memory_space<semaphore_mem>>
    %dma_start3A_10 = tpu.memref_squeeze %dma_start3A_9 : memref<1x!tpu.dma_semaphore, #tpu.memory_space<semaphore_mem>> -> memref<!tpu.dma_semaphore, #tpu.memory_space<semaphore_mem>>
    %dma_start3A_11 = tpu.memref_slice %arg3[%mul3A_2] : memref<16384xi32, #tpu.memory_space<hbm>> -> memref<512xi32, #tpu.memory_space<hbm>>
    tpu.enqueue_dma source(%dma_start3A_11 : memref<512xi32, #tpu.memory_space<hbm>>) target(%arg9 : memref<512xi32, #tpu.memory_space<vmem>>) target_semaphore(%dma_start3A_10 : memref<!tpu.dma_semaphore, #tpu.memory_space<semaphore_mem>>)
    %dma_start3A_12 = arith.constant 2 : i32
    %dma_start3A_13 = tpu.memref_slice %arg16[%dma_start3A_12] : memref<3x!tpu.dma_semaphore, #tpu.memory_space<semaphore_mem>> -> memref<1x!tpu.dma_semaphore, #tpu.memory_space<semaphore_mem>>
    %dma_start3A_14 = tpu.memref_squeeze %dma_start3A_13 : memref<1x!tpu.dma_semaphore, #tpu.memory_space<semaphore_mem>> -> memref<!tpu.dma_semaphore, #tpu.memory_space<semaphore_mem>>
    tpu.enqueue_dma source(%arg6 : memref<128xf32, #tpu.memory_space<hbm>>) target(%arg12 : memref<128xf32, #tpu.memory_space<vmem>>) target_semaphore(%dma_start3A_14 : memref<!tpu.dma_semaphore, #tpu.memory_space<semaphore_mem>>)
    %broadcast_in_dim3A = arith.constant 0.000000e+00 : f32
    %broadcast_in_dim3A_15 = vector.broadcast %broadcast_in_dim3A : f32 to vector<16xf32>
    %iota3A = tpu.iota {dimensions = array<i32: 0>} : vector<16xi32>
    %scan3A = arith.constant 0 : i32
    %scan3A_16 = arith.constant 0 : i32
    %scan3A_17 = arith.constant 32 : i32
    %scan3A_18 = arith.addi %scan3A_16, %scan3A_17 : i32
    %scan3A_19 = arith.constant 1 : i32
    scf.for %scan3A_96 = %scan3A_16 to %scan3A_18 step %scan3A_19  : i32 {
      %mul3A_97 = arith.constant 16 : i32
      %mul3A_98 = arith.muli %scan3A_96, %mul3A_97 : i32
      %swap3A = arith.index_cast %mul3A_98 : i32 to index
      %swap3A_99 = tpu.vector_load %arg13[%swap3A] {strides = array<i32>} : memref<512xf32, #tpu.memory_space<vmem>>, vector<16xf32>,
      %swap3A_100 = vector.shape_cast %swap3A_99 : vector<16xf32> to vector<16xf32>
      %swap3A_101 = vector.shape_cast %broadcast_in_dim3A_15 : vector<16xf32> to vector<16xf32>
      tpu.vector_store %arg13[%swap3A], %swap3A_101 {strides = array<i32>} : memref<512xf32, #tpu.memory_space<vmem>>, vector<16xf32>,
    }
    %scan3A_20 = arith.constant 32 : i32
    %dma_wait3A = arith.constant 0 : i32
    %dma_wait3A_21 = tpu.memref_slice %arg2[%mul3A_2] : memref<16384xi32, #tpu.memory_space<hbm>> -> memref<512xi32, #tpu.memory_space<hbm>>
    %dma_wait3A_22 = tpu.memref_slice %arg16[%dma_wait3A] : memref<3x!tpu.dma_semaphore, #tpu.memory_space<semaphore_mem>> -> memref<1x!tpu.dma_semaphore, #tpu.memory_space<semaphore_mem>>
    %dma_wait3A_23 = tpu.memref_squeeze %dma_wait3A_22 : memref<1x!tpu.dma_semaphore, #tpu.memory_space<semaphore_mem>> -> memref<!tpu.dma_semaphore, #tpu.memory_space<semaphore_mem>>
    %dma_wait3A_24 = tpu.memref_slice %arg2[%mul3A_2] : memref<16384xi32, #tpu.memory_space<hbm>> -> memref<512xi32, #tpu.memory_space<hbm>>
    tpu.wait_dma2 semaphore(%dma_wait3A_23 : memref<!tpu.dma_semaphore, #tpu.memory_space<semaphore_mem>>) src(%dma_wait3A_24 : memref<512xi32, #tpu.memory_space<hbm>>) dst(%arg8 : memref<512xi32, #tpu.memory_space<vmem>>)
    %dma_wait3A_25 = arith.constant 1 : i32
    %dma_wait3A_26 = tpu.memref_slice %arg3[%mul3A_2] : memref<16384xi32, #tpu.memory_space<hbm>> -> memref<512xi32, #tpu.memory_space<hbm>>
    %dma_wait3A_27 = tpu.memref_slice %arg16[%dma_wait3A_25] : memref<3x!tpu.dma_semaphore, #tpu.memory_space<semaphore_mem>> -> memref<1x!tpu.dma_semaphore, #tpu.memory_space<semaphore_mem>>
    %dma_wait3A_28 = tpu.memref_squeeze %dma_wait3A_27 : memref<1x!tpu.dma_semaphore, #tpu.memory_space<semaphore_mem>> -> memref<!tpu.dma_semaphore, #tpu.memory_space<semaphore_mem>>
    %dma_wait3A_29 = tpu.memref_slice %arg3[%mul3A_2] : memref<16384xi32, #tpu.memory_space<hbm>> -> memref<512xi32, #tpu.memory_space<hbm>>
    tpu.wait_dma2 semaphore(%dma_wait3A_28 : memref<!tpu.dma_semaphore, #tpu.memory_space<semaphore_mem>>) src(%dma_wait3A_29 : memref<512xi32, #tpu.memory_space<hbm>>) dst(%arg9 : memref<512xi32, #tpu.memory_space<vmem>>)
    %dma_wait3A_30 = arith.constant 2 : i32
    %dma_wait3A_31 = tpu.memref_slice %arg16[%dma_wait3A_30] : memref<3x!tpu.dma_semaphore, #tpu.memory_space<semaphore_mem>> -> memref<1x!tpu.dma_semaphore, #tpu.memory_space<semaphore_mem>>
    %dma_wait3A_32 = tpu.memref_squeeze %dma_wait3A_31 : memref<1x!tpu.dma_semaphore, #tpu.memory_space<semaphore_mem>> -> memref<!tpu.dma_semaphore, #tpu.memory_space<semaphore_mem>>
    tpu.wait_dma2 semaphore(%dma_wait3A_32 : memref<!tpu.dma_semaphore, #tpu.memory_space<semaphore_mem>>) src(%arg6 : memref<128xf32, #tpu.memory_space<hbm>>) dst(%arg12 : memref<128xf32, #tpu.memory_space<vmem>>)
    %get3A = arith.constant 0 : index
    %get3A_33 = tpu.vector_load %arg12[%get3A] {strides = array<i32>} : memref<128xf32, #tpu.memory_space<vmem>>, vector<16xf32>,
    %get3A_34 = vector.shape_cast %get3A_33 : vector<16xf32> to vector<16xf32>
    %get3A_35 = arith.constant 16 : index
    %get3A_36 = tpu.vector_load %arg12[%get3A_35] {strides = array<i32>} : memref<128xf32, #tpu.memory_space<vmem>>, vector<16xf32>,
    %get3A_37 = vector.shape_cast %get3A_36 : vector<16xf32> to vector<16xf32>
    %get3A_38 = arith.constant 32 : index
    %get3A_39 = tpu.vector_load %arg12[%get3A_38] {strides = array<i32>} : memref<128xf32, #tpu.memory_space<vmem>>, vector<16xf32>,
    %get3A_40 = vector.shape_cast %get3A_39 : vector<16xf32> to vector<16xf32>
    %get3A_41 = arith.constant 48 : index
    %get3A_42 = tpu.vector_load %arg12[%get3A_41] {strides = array<i32>} : memref<128xf32, #tpu.memory_space<vmem>>, vector<16xf32>,
    %get3A_43 = vector.shape_cast %get3A_42 : vector<16xf32> to vector<16xf32>
    %get3A_44 = arith.constant 64 : index
    %get3A_45 = tpu.vector_load %arg12[%get3A_44] {strides = array<i32>} : memref<128xf32, #tpu.memory_space<vmem>>, vector<16xf32>,
    %get3A_46 = vector.shape_cast %get3A_45 : vector<16xf32> to vector<16xf32>
    %get3A_47 = arith.constant 80 : index
    %get3A_48 = tpu.vector_load %arg12[%get3A_47] {strides = array<i32>} : memref<128xf32, #tpu.memory_space<vmem>>, vector<16xf32>,
    %get3A_49 = vector.shape_cast %get3A_48 : vector<16xf32> to vector<16xf32>
    %get3A_50 = arith.constant 96 : index
    %get3A_51 = tpu.vector_load %arg12[%get3A_50] {strides = array<i32>} : memref<128xf32, #tpu.memory_space<vmem>>, vector<16xf32>,
    %get3A_52 = vector.shape_cast %get3A_51 : vector<16xf32> to vector<16xf32>
    %get3A_53 = arith.constant 112 : index
    %get3A_54 = tpu.vector_load %arg12[%get3A_53] {strides = array<i32>} : memref<128xf32, #tpu.memory_space<vmem>>, vector<16xf32>,
    %get3A_55 = vector.shape_cast %get3A_54 : vector<16xf32> to vector<16xf32>
    %dma_start3A_56 = arith.constant 0 : i32
    %dma_start3A_57 = arith.constant 0 : i32
    %dma_start3A_58 = arith.constant 0 : i32
    %dma_start3A_59 = arith.constant 0 : i32
    %dma_start3A_60 = arith.constant 0 : i32
    %dma_start3A_61 = tpu.memref_slice %arg10[%dma_start3A_56, %dma_start3A_59, %dma_start3A_60] : memref<2x128x128xf32, #tpu.memory_space<vmem>> -> memref<1x128x128xf32, #tpu.memory_space<vmem>>
    %dma_start3A_62 = tpu.memref_squeeze %dma_start3A_61 : memref<1x128x128xf32, #tpu.memory_space<vmem>> -> memref<128x128xf32, #tpu.memory_space<vmem>>
    %dma_start3A_63 = arith.constant 0 : i32
    %dma_start3A_64 = tpu.memref_slice %arg8[%dma_start3A_63] : memref<512xi32, #tpu.memory_space<vmem>> -> memref<128xi32, #tpu.memory_space<vmem>>
    %dma_start3A_65 = arith.constant 0 : i32
    %dma_start3A_66 = arith.constant 0 : i32
    %dma_start3A_67 = tpu.memref_slice %arg4[%dma_start3A_65, %dma_start3A_66] : memref<100000x128xf32, #tpu.memory_space<hbm>> -> memref<100000x128xf32, #tpu.memory_space<hbm>>
    %dma_start3A_68 = tpu.memref_slice %arg15[%dma_start3A_57, %dma_start3A_58] : memref<2x2x!tpu.dma_semaphore, #tpu.memory_space<semaphore_mem>> -> memref<1x1x!tpu.dma_semaphore, #tpu.memory_space<semaphore_mem>>
    %dma_start3A_69 = tpu.memref_squeeze %dma_start3A_68 : memref<1x1x!tpu.dma_semaphore, #tpu.memory_space<semaphore_mem>> -> memref<!tpu.dma_semaphore, #tpu.memory_space<semaphore_mem>>
    tpu.enqueue_indirect_dma source(%dma_start3A_67 : memref<100000x128xf32, #tpu.memory_space<hbm>>) target(%dma_start3A_62 : memref<128x128xf32, #tpu.memory_space<vmem>>) offsets(%dma_start3A_64 : memref<128xi32, #tpu.memory_space<vmem>>) semaphore(%dma_start3A_69 : memref<!tpu.dma_semaphore, #tpu.memory_space<semaphore_mem>>)
    %dma_start3A_70 = arith.constant 0 : i32
    %dma_start3A_71 = arith.constant 0 : i32
    %dma_start3A_72 = arith.constant 1 : i32
    %dma_start3A_73 = arith.constant 0 : i32
    %dma_start3A_74 = arith.constant 0 : i32
    %dma_start3A_75 = tpu.memref_slice %arg11[%dma_start3A_70, %dma_start3A_73, %dma_start3A_74] : memref<2x128x128xf32, #tpu.memory_space<vmem>> -> memref<1x128x128xf32, #tpu.memory_space<vmem>>
    %dma_start3A_76 = tpu.memref_squeeze %dma_start3A_75 : memref<1x128x128xf32, #tpu.memory_space<vmem>> -> memref<128x128xf32, #tpu.memory_space<vmem>>
    %dma_start3A_77 = arith.constant 0 : i32
    %dma_start3A_78 = tpu.memref_slice %arg9[%dma_start3A_77] : memref<512xi32, #tpu.memory_space<vmem>> -> memref<128xi32, #tpu.memory_space<vmem>>
    %dma_start3A_79 = arith.constant 0 : i32
    %dma_start3A_80 = arith.constant 0 : i32
    %dma_start3A_81 = tpu.memref_slice %arg5[%dma_start3A_79, %dma_start3A_80] : memref<1000000x128xf32, #tpu.memory_space<hbm>> -> memref<1000000x128xf32, #tpu.memory_space<hbm>>
    %dma_start3A_82 = tpu.memref_slice %arg15[%dma_start3A_71, %dma_start3A_72] : memref<2x2x!tpu.dma_semaphore, #tpu.memory_space<semaphore_mem>> -> memref<1x1x!tpu.dma_semaphore, #tpu.memory_space<semaphore_mem>>
    %dma_start3A_83 = tpu.memref_squeeze %dma_start3A_82 : memref<1x1x!tpu.dma_semaphore, #tpu.memory_space<semaphore_mem>> -> memref<!tpu.dma_semaphore, #tpu.memory_space<semaphore_mem>>
    tpu.enqueue_indirect_dma source(%dma_start3A_81 : memref<1000000x128xf32, #tpu.memory_space<hbm>>) target(%dma_start3A_76 : memref<128x128xf32, #tpu.memory_space<vmem>>) offsets(%dma_start3A_78 : memref<128xi32, #tpu.memory_space<vmem>>) semaphore(%dma_start3A_83 : memref<!tpu.dma_semaphore, #tpu.memory_space<semaphore_mem>>)
    %scan3A_84 = arith.constant 0 : i32
    %scan3A_85 = arith.constant 0 : i32
    %scan3A_86 = arith.constant 128 : i32
    %scan3A_87 = arith.addi %scan3A_85, %scan3A_86 : i32
    %scan3A_88 = arith.constant 1 : i32
    scf.for %scan3A_96 = %scan3A_85 to %scan3A_87 step %scan3A_88  : i32 {
      %jit3A = arith.constant 32 : i32
      %div3A = arith.divsi %scan3A_96, %jit3A : i32
      %sign3A = arith.constant 0 : i32
      %sign3A_97 = arith.cmpi sgt, %scan3A_96, %sign3A : i32
      %sign3A_98 = arith.extui %sign3A_97 : i1 to i32
      %sign3A_99 = arith.constant 0 : i32
      %sign3A_100 = arith.cmpi slt, %scan3A_96, %sign3A_99 : i32
      %sign3A_101 = arith.extui %sign3A_100 : i1 to i32
      %sign3A_102 = arith.subi %sign3A_98, %sign3A_101 : i32
      %sign3A_103 = arith.constant 0 : i32
      %sign3A_104 = arith.cmpi sgt, %jit3A, %sign3A_103 : i32
      %sign3A_105 = arith.extui %sign3A_104 : i1 to i32
      %sign3A_106 = arith.constant 0 : i32
      %sign3A_107 = arith.cmpi slt, %jit3A, %sign3A_106 : i32
      %sign3A_108 = arith.extui %sign3A_107 : i1 to i32
      %sign3A_109 = arith.subi %sign3A_105, %sign3A_108 : i32
      %ne3A = arith.cmpi ne, %sign3A_102, %sign3A_109 : i32
      %rem3A = arith.remsi %scan3A_96, %jit3A : i32
      %ne3A_110 = arith.constant 0 : i32
      %ne3A_111 = arith.cmpi ne, %rem3A, %ne3A_110 : i32
      %and3A = arith.andi %ne3A, %ne3A_111 : i1
      %sub3A = arith.constant 1 : i32
      %sub3A_112 = arith.subi %div3A, %sub3A : i32
      %select_n3A = arith.select %and3A, %sub3A_112, %div3A : i32
      %jit3A_113 = arith.constant 32 : i32
      %eq3A = arith.constant 0 : i32
      %eq3A_114 = arith.cmpi eq, %jit3A_113, %eq3A : i32
      %jit3A_115 = arith.constant 1 : i32
      %select_n3A_116 = arith.select %eq3A_114, %jit3A_115, %jit3A_113 : i32
      %rem3A_117 = arith.remsi %scan3A_96, %select_n3A_116 : i32
      %ne3A_118 = arith.constant 0 : i32
      %ne3A_119 = arith.cmpi ne, %rem3A_117, %ne3A_118 : i32
      %lt3A = arith.constant 0 : i32
      %lt3A_120 = arith.cmpi slt, %rem3A_117, %lt3A : i32
      %lt3A_121 = arith.constant 0 : i32
      %lt3A_122 = arith.cmpi slt, %select_n3A_116, %lt3A_121 : i32
      %ne3A_123 = arith.xori %lt3A_120, %lt3A_122 : i1
      %and3A_124 = arith.andi %ne3A_123, %ne3A_119 : i1
      %add3A_125 = arith.addi %rem3A_117, %select_n3A_116 : i32
      %select_n3A_126 = arith.select %and3A_124, %add3A_125, %rem3A_117 : i32
      %jit3A_127 = arith.constant 2 : i32
      %eq3A_128 = arith.constant 0 : i32
      %eq3A_129 = arith.cmpi eq, %jit3A_127, %eq3A_128 : i32
      %jit3A_130 = arith.constant 1 : i32
      %select_n3A_131 = arith.select %eq3A_129, %jit3A_130, %jit3A_127 : i32
      %rem3A_132 = arith.remsi %select_n3A, %select_n3A_131 : i32
      %ne3A_133 = arith.constant 0 : i32
      %ne3A_134 = arith.cmpi ne, %rem3A_132, %ne3A_133 : i32
      %lt3A_135 = arith.constant 0 : i32
      %lt3A_136 = arith.cmpi slt, %rem3A_132, %lt3A_135 : i32
      %lt3A_137 = arith.constant 0 : i32
      %lt3A_138 = arith.cmpi slt, %select_n3A_131, %lt3A_137 : i32
      %ne3A_139 = arith.xori %lt3A_136, %lt3A_138 : i1
      %and3A_140 = arith.andi %ne3A_139, %ne3A_134 : i1
      %add3A_141 = arith.addi %rem3A_132, %select_n3A_131 : i32
      %select_n3A_142 = arith.select %and3A_140, %add3A_141, %rem3A_132 : i32
      %eq3A_143 = arith.constant 0 : i32
      %eq3A_144 = arith.cmpi eq, %select_n3A_126, %eq3A_143 : i32
      %convert_element_type3A = arith.extui %eq3A_144 : i1 to i32
      %cond3A = arith.constant 0 : i32
      %cond3A_145 = arith.cmpi ne, %convert_element_type3A, %cond3A : i32
      scf.if %cond3A_145 {
        %add3A_954 = arith.constant 1 : i32
        %add3A_955 = arith.addi %select_n3A, %add3A_954 : i32
        %lt3A_956 = arith.constant 4 : i32
        %lt3A_957 = arith.cmpi slt, %add3A_955, %lt3A_956 : i32
        %convert_element_type3A_958 = arith.extui %lt3A_957 : i1 to i32
        %cond3A_959 = arith.constant 0 : i32
        %cond3A_960 = arith.cmpi ne, %convert_element_type3A_958, %cond3A_959 : i32
        scf.if %cond3A_960 {
          %add3A_987 = arith.constant 1 : i32
          %add3A_988 = arith.addi %select_n3A, %add3A_987 : i32
          %sub3A_989 = arith.constant 1 : i32
          %sub3A_990 = arith.subi %sub3A_989, %select_n3A_142 : i32
          %mul3A_991 = arith.constant 128 : i32
          %mul3A_992 = arith.muli %add3A_988, %mul3A_991 : i32
          %dma_start3A_993 = arith.constant 0 : i32
          %dma_start3A_994 = arith.constant 0 : i32
          %dma_start3A_995 = arith.constant 0 : i32
          %dma_start3A_996 = tpu.memref_slice %arg10[%sub3A_990, %dma_start3A_994, %dma_start3A_995] : memref<2x128x128xf32, #tpu.memory_space<vmem>> -> memref<1x128x128xf32, #tpu.memory_space<vmem>>
          %dma_start3A_997 = tpu.memref_squeeze %dma_start3A_996 : memref<1x128x128xf32, #tpu.memory_space<vmem>> -> memref<128x128xf32, #tpu.memory_space<vmem>>
          %dma_start3A_998 = tpu.memref_slice %arg8[%mul3A_992] : memref<512xi32, #tpu.memory_space<vmem>> -> memref<128xi32, #tpu.memory_space<vmem>>
          %dma_start3A_999 = arith.constant 0 : i32
          %dma_start3A_1000 = arith.constant 0 : i32
          %dma_start3A_1001 = tpu.memref_slice %arg4[%dma_start3A_999, %dma_start3A_1000] : memref<100000x128xf32, #tpu.memory_space<hbm>> -> memref<100000x128xf32, #tpu.memory_space<hbm>>
          %dma_start3A_1002 = tpu.memref_slice %arg15[%sub3A_990, %dma_start3A_993] : memref<2x2x!tpu.dma_semaphore, #tpu.memory_space<semaphore_mem>> -> memref<1x1x!tpu.dma_semaphore, #tpu.memory_space<semaphore_mem>>
          %dma_start3A_1003 = tpu.memref_squeeze %dma_start3A_1002 : memref<1x1x!tpu.dma_semaphore, #tpu.memory_space<semaphore_mem>> -> memref<!tpu.dma_semaphore, #tpu.memory_space<semaphore_mem>>
          tpu.enqueue_indirect_dma source(%dma_start3A_1001 : memref<100000x128xf32, #tpu.memory_space<hbm>>) target(%dma_start3A_997 : memref<128x128xf32, #tpu.memory_space<vmem>>) offsets(%dma_start3A_998 : memref<128xi32, #tpu.memory_space<vmem>>) semaphore(%dma_start3A_1003 : memref<!tpu.dma_semaphore, #tpu.memory_space<semaphore_mem>>)
          %mul3A_1004 = arith.constant 128 : i32
          %mul3A_1005 = arith.muli %add3A_988, %mul3A_1004 : i32
          %dma_start3A_1006 = arith.constant 1 : i32
          %dma_start3A_1007 = arith.constant 0 : i32
          %dma_start3A_1008 = arith.constant 0 : i32
          %dma_start3A_1009 = tpu.memref_slice %arg11[%sub3A_990, %dma_start3A_1007, %dma_start3A_1008] : memref<2x128x128xf32, #tpu.memory_space<vmem>> -> memref<1x128x128xf32, #tpu.memory_space<vmem>>
          %dma_start3A_1010 = tpu.memref_squeeze %dma_start3A_1009 : memref<1x128x128xf32, #tpu.memory_space<vmem>> -> memref<128x128xf32, #tpu.memory_space<vmem>>
          %dma_start3A_1011 = tpu.memref_slice %arg9[%mul3A_1005] : memref<512xi32, #tpu.memory_space<vmem>> -> memref<128xi32, #tpu.memory_space<vmem>>
          %dma_start3A_1012 = arith.constant 0 : i32
          %dma_start3A_1013 = arith.constant 0 : i32
          %dma_start3A_1014 = tpu.memref_slice %arg5[%dma_start3A_1012, %dma_start3A_1013] : memref<1000000x128xf32, #tpu.memory_space<hbm>> -> memref<1000000x128xf32, #tpu.memory_space<hbm>>
          %dma_start3A_1015 = tpu.memref_slice %arg15[%sub3A_990, %dma_start3A_1006] : memref<2x2x!tpu.dma_semaphore, #tpu.memory_space<semaphore_mem>> -> memref<1x1x!tpu.dma_semaphore, #tpu.memory_space<semaphore_mem>>
          %dma_start3A_1016 = tpu.memref_squeeze %dma_start3A_1015 : memref<1x1x!tpu.dma_semaphore, #tpu.memory_space<semaphore_mem>> -> memref<!tpu.dma_semaphore, #tpu.memory_space<semaphore_mem>>
          tpu.enqueue_indirect_dma source(%dma_start3A_1014 : memref<1000000x128xf32, #tpu.memory_space<hbm>>) target(%dma_start3A_1010 : memref<128x128xf32, #tpu.memory_space<vmem>>) offsets(%dma_start3A_1011 : memref<128xi32, #tpu.memory_space<vmem>>) semaphore(%dma_start3A_1016 : memref<!tpu.dma_semaphore, #tpu.memory_space<semaphore_mem>>)
        } else {
        }
        %mul3A_961 = arith.constant 128 : i32
        %mul3A_962 = arith.muli %select_n3A, %mul3A_961 : i32
        %dma_wait3A_963 = arith.constant 0 : i32
        %dma_wait3A_964 = arith.constant 0 : i32
        %dma_wait3A_965 = arith.constant 0 : i32
        %dma_wait3A_966 = tpu.memref_slice %arg10[%select_n3A_142, %dma_wait3A_964, %dma_wait3A_965] : memref<2x128x128xf32, #tpu.memory_space<vmem>> -> memref<1x128x128xf32, #tpu.memory_space<vmem>>
        %dma_wait3A_967 = tpu.memref_squeeze %dma_wait3A_966 : memref<1x128x128xf32, #tpu.memory_space<vmem>> -> memref<128x128xf32, #tpu.memory_space<vmem>>
        %dma_wait3A_968 = tpu.memref_slice %arg8[%mul3A_962] : memref<512xi32, #tpu.memory_space<vmem>> -> memref<128xi32, #tpu.memory_space<vmem>>
        %dma_wait3A_969 = arith.constant 0 : i32
        %dma_wait3A_970 = arith.constant 0 : i32
        %dma_wait3A_971 = tpu.memref_slice %arg4[%dma_wait3A_969, %dma_wait3A_970] : memref<100000x128xf32, #tpu.memory_space<hbm>> -> memref<100000x128xf32, #tpu.memory_space<hbm>>
        %dma_wait3A_972 = tpu.memref_slice %arg15[%select_n3A_142, %dma_wait3A_963] : memref<2x2x!tpu.dma_semaphore, #tpu.memory_space<semaphore_mem>> -> memref<1x1x!tpu.dma_semaphore, #tpu.memory_space<semaphore_mem>>
        %dma_wait3A_973 = tpu.memref_squeeze %dma_wait3A_972 : memref<1x1x!tpu.dma_semaphore, #tpu.memory_space<semaphore_mem>> -> memref<!tpu.dma_semaphore, #tpu.memory_space<semaphore_mem>>
        tpu.wait_indirect_dma semaphore(%dma_wait3A_973 : memref<!tpu.dma_semaphore, #tpu.memory_space<semaphore_mem>>) src(%dma_wait3A_971 : memref<100000x128xf32, #tpu.memory_space<hbm>>) dst(%dma_wait3A_967 : memref<128x128xf32, #tpu.memory_space<vmem>>)
        %mul3A_974 = arith.constant 128 : i32
        %mul3A_975 = arith.muli %select_n3A, %mul3A_974 : i32
        %dma_wait3A_976 = arith.constant 1 : i32
        %dma_wait3A_977 = arith.constant 0 : i32
        %dma_wait3A_978 = arith.constant 0 : i32
        %dma_wait3A_979 = tpu.memref_slice %arg11[%select_n3A_142, %dma_wait3A_977, %dma_wait3A_978] : memref<2x128x128xf32, #tpu.memory_space<vmem>> -> memref<1x128x128xf32, #tpu.memory_space<vmem>>
        %dma_wait3A_980 = tpu.memref_squeeze %dma_wait3A_979 : memref<1x128x128xf32, #tpu.memory_space<vmem>> -> memref<128x128xf32, #tpu.memory_space<vmem>>
        %dma_wait3A_981 = tpu.memref_slice %arg9[%mul3A_975] : memref<512xi32, #tpu.memory_space<vmem>> -> memref<128xi32, #tpu.memory_space<vmem>>
        %dma_wait3A_982 = arith.constant 0 : i32
        %dma_wait3A_983 = arith.constant 0 : i32
        %dma_wait3A_984 = tpu.memref_slice %arg5[%dma_wait3A_982, %dma_wait3A_983] : memref<1000000x128xf32, #tpu.memory_space<hbm>> -> memref<1000000x128xf32, #tpu.memory_space<hbm>>
        %dma_wait3A_985 = tpu.memref_slice %arg15[%select_n3A_142, %dma_wait3A_976] : memref<2x2x!tpu.dma_semaphore, #tpu.memory_space<semaphore_mem>> -> memref<1x1x!tpu.dma_semaphore, #tpu.memory_space<semaphore_mem>>
        %dma_wait3A_986 = tpu.memref_squeeze %dma_wait3A_985 : memref<1x1x!tpu.dma_semaphore, #tpu.memory_space<semaphore_mem>> -> memref<!tpu.dma_semaphore, #tpu.memory_space<semaphore_mem>>
        tpu.wait_indirect_dma semaphore(%dma_wait3A_986 : memref<!tpu.dma_semaphore, #tpu.memory_space<semaphore_mem>>) src(%dma_wait3A_984 : memref<1000000x128xf32, #tpu.memory_space<hbm>>) dst(%dma_wait3A_980 : memref<128x128xf32, #tpu.memory_space<vmem>>)
      } else {
      }
      %jit3A_146 = arith.constant 4 : i32
      %eq3A_147 = arith.constant 0 : i32
      %eq3A_148 = arith.cmpi eq, %jit3A_146, %eq3A_147 : i32
      %jit3A_149 = arith.constant 1 : i32
      %select_n3A_150 = arith.select %eq3A_148, %jit3A_149, %jit3A_146 : i32
      %rem3A_151 = arith.remsi %select_n3A_126, %select_n3A_150 : i32
      %ne3A_152 = arith.constant 0 : i32
      %ne3A_153 = arith.cmpi ne, %rem3A_151, %ne3A_152 : i32
      %lt3A_154 = arith.constant 0 : i32
      %lt3A_155 = arith.cmpi slt, %rem3A_151, %lt3A_154 : i32
      %lt3A_156 = arith.constant 0 : i32
      %lt3A_157 = arith.cmpi slt, %select_n3A_150, %lt3A_156 : i32
      %ne3A_158 = arith.xori %lt3A_155, %lt3A_157 : i1
      %and3A_159 = arith.andi %ne3A_158, %ne3A_153 : i1
      %add3A_160 = arith.addi %rem3A_151, %select_n3A_150 : i32
      %select_n3A_161 = arith.select %and3A_159, %add3A_160, %rem3A_151 : i32
      %mul3A_162 = arith.constant 4 : i32
      %mul3A_163 = arith.muli %select_n3A_161, %mul3A_162 : i32
      %mul3A_164 = arith.constant 4 : i32
      %mul3A_165 = arith.muli %select_n3A_126, %mul3A_164 : i32
      %add3A_166 = arith.constant 0 : i32
      %add3A_167 = arith.addi %mul3A_165, %add3A_166 : i32
      %get3A_168 = arith.constant 0 : i32
      %get3A_169 = arith.constant 0 : i32
      %get3A_170 = tpu.memref_slice %arg10[%select_n3A_142, %get3A_168, %get3A_169] : memref<2x128x128xf32, #tpu.memory_space<vmem>> -> memref<1x128x128xf32, #tpu.memory_space<vmem>>
      %get3A_171 = tpu.memref_squeeze %get3A_170 : memref<1x128x128xf32, #tpu.memory_space<vmem>> -> memref<128x128xf32, #tpu.memory_space<vmem>>
      %get3A_172 = arith.index_cast %add3A_167 : i32 to index
      %get3A_173 = arith.constant 0 : index
      %get3A_174 = tpu.vector_load %get3A_171[%get3A_172, %get3A_173] {strides = array<i32>} : memref<128x128xf32, #tpu.memory_space<vmem>>, vector<1x16xf32>,
      %get3A_175 = vector.shape_cast %get3A_174 : vector<1x16xf32> to vector<16xf32>
      %get3A_176 = arith.constant 0 : i32
      %get3A_177 = arith.constant 0 : i32
      %get3A_178 = tpu.memref_slice %arg11[%select_n3A_142, %get3A_176, %get3A_177] : memref<2x128x128xf32, #tpu.memory_space<vmem>> -> memref<1x128x128xf32, #tpu.memory_space<vmem>>
      %get3A_179 = tpu.memref_squeeze %get3A_178 : memref<1x128x128xf32, #tpu.memory_space<vmem>> -> memref<128x128xf32, #tpu.memory_space<vmem>>
      %get3A_180 = arith.index_cast %add3A_167 : i32 to index
      %get3A_181 = arith.constant 0 : index
      %get3A_182 = tpu.vector_load %get3A_179[%get3A_180, %get3A_181] {strides = array<i32>} : memref<128x128xf32, #tpu.memory_space<vmem>>, vector<1x16xf32>,
      %get3A_183 = vector.shape_cast %get3A_182 : vector<1x16xf32> to vector<16xf32>
      %mul3A_184 = arith.mulf %get3A_175, %get3A_183 : vector<16xf32>
      %mul3A_185 = arith.mulf %mul3A_184, %get3A_34 : vector<16xf32>
      %add3A_186 = arith.addf %broadcast_in_dim3A_15, %mul3A_185 : vector<16xf32>
      %get3A_187 = arith.constant 0 : i32
      %get3A_188 = arith.constant 0 : i32
      %get3A_189 = tpu.memref_slice %arg10[%select_n3A_142, %get3A_187, %get3A_188] : memref<2x128x128xf32, #tpu.memory_space<vmem>> -> memref<1x128x128xf32, #tpu.memory_space<vmem>>
      %get3A_190 = tpu.memref_squeeze %get3A_189 : memref<1x128x128xf32, #tpu.memory_space<vmem>> -> memref<128x128xf32, #tpu.memory_space<vmem>>
      %get3A_191 = arith.index_cast %add3A_167 : i32 to index
      %get3A_192 = arith.constant 16 : index
      %get3A_193 = tpu.vector_load %get3A_190[%get3A_191, %get3A_192] {strides = array<i32>} : memref<128x128xf32, #tpu.memory_space<vmem>>, vector<1x16xf32>,
      %get3A_194 = vector.shape_cast %get3A_193 : vector<1x16xf32> to vector<16xf32>
      %get3A_195 = arith.constant 0 : i32
      %get3A_196 = arith.constant 0 : i32
      %get3A_197 = tpu.memref_slice %arg11[%select_n3A_142, %get3A_195, %get3A_196] : memref<2x128x128xf32, #tpu.memory_space<vmem>> -> memref<1x128x128xf32, #tpu.memory_space<vmem>>
      %get3A_198 = tpu.memref_squeeze %get3A_197 : memref<1x128x128xf32, #tpu.memory_space<vmem>> -> memref<128x128xf32, #tpu.memory_space<vmem>>
      %get3A_199 = arith.index_cast %add3A_167 : i32 to index
      %get3A_200 = arith.constant 16 : index
      %get3A_201 = tpu.vector_load %get3A_198[%get3A_199, %get3A_200] {strides = array<i32>} : memref<128x128xf32, #tpu.memory_space<vmem>>, vector<1x16xf32>,
      %get3A_202 = vector.shape_cast %get3A_201 : vector<1x16xf32> to vector<16xf32>
      %mul3A_203 = arith.mulf %get3A_194, %get3A_202 : vector<16xf32>
      %mul3A_204 = arith.mulf %mul3A_203, %get3A_37 : vector<16xf32>
      %add3A_205 = arith.addf %add3A_186, %mul3A_204 : vector<16xf32>
      %get3A_206 = arith.constant 0 : i32
      %get3A_207 = arith.constant 0 : i32
      %get3A_208 = tpu.memref_slice %arg10[%select_n3A_142, %get3A_206, %get3A_207] : memref<2x128x128xf32, #tpu.memory_space<vmem>> -> memref<1x128x128xf32, #tpu.memory_space<vmem>>
      %get3A_209 = tpu.memref_squeeze %get3A_208 : memref<1x128x128xf32, #tpu.memory_space<vmem>> -> memref<128x128xf32, #tpu.memory_space<vmem>>
      %get3A_210 = arith.index_cast %add3A_167 : i32 to index
      %get3A_211 = arith.constant 32 : index
      %get3A_212 = tpu.vector_load %get3A_209[%get3A_210, %get3A_211] {strides = array<i32>} : memref<128x128xf32, #tpu.memory_space<vmem>>, vector<1x16xf32>,
      %get3A_213 = vector.shape_cast %get3A_212 : vector<1x16xf32> to vector<16xf32>
      %get3A_214 = arith.constant 0 : i32
      %get3A_215 = arith.constant 0 : i32
      %get3A_216 = tpu.memref_slice %arg11[%select_n3A_142, %get3A_214, %get3A_215] : memref<2x128x128xf32, #tpu.memory_space<vmem>> -> memref<1x128x128xf32, #tpu.memory_space<vmem>>
      %get3A_217 = tpu.memref_squeeze %get3A_216 : memref<1x128x128xf32, #tpu.memory_space<vmem>> -> memref<128x128xf32, #tpu.memory_space<vmem>>
      %get3A_218 = arith.index_cast %add3A_167 : i32 to index
      %get3A_219 = arith.constant 32 : index
      %get3A_220 = tpu.vector_load %get3A_217[%get3A_218, %get3A_219] {strides = array<i32>} : memref<128x128xf32, #tpu.memory_space<vmem>>, vector<1x16xf32>,
      %get3A_221 = vector.shape_cast %get3A_220 : vector<1x16xf32> to vector<16xf32>
      %mul3A_222 = arith.mulf %get3A_213, %get3A_221 : vector<16xf32>
      %mul3A_223 = arith.mulf %mul3A_222, %get3A_40 : vector<16xf32>
      %add3A_224 = arith.addf %add3A_205, %mul3A_223 : vector<16xf32>
      %get3A_225 = arith.constant 0 : i32
      %get3A_226 = arith.constant 0 : i32
      %get3A_227 = tpu.memref_slice %arg10[%select_n3A_142, %get3A_225, %get3A_226] : memref<2x128x128xf32, #tpu.memory_space<vmem>> -> memref<1x128x128xf32, #tpu.memory_space<vmem>>
      %get3A_228 = tpu.memref_squeeze %get3A_227 : memref<1x128x128xf32, #tpu.memory_space<vmem>> -> memref<128x128xf32, #tpu.memory_space<vmem>>
      %get3A_229 = arith.index_cast %add3A_167 : i32 to index
      %get3A_230 = arith.constant 48 : index
      %get3A_231 = tpu.vector_load %get3A_228[%get3A_229, %get3A_230] {strides = array<i32>} : memref<128x128xf32, #tpu.memory_space<vmem>>, vector<1x16xf32>,
      %get3A_232 = vector.shape_cast %get3A_231 : vector<1x16xf32> to vector<16xf32>
      %get3A_233 = arith.constant 0 : i32
      %get3A_234 = arith.constant 0 : i32
      %get3A_235 = tpu.memref_slice %arg11[%select_n3A_142, %get3A_233, %get3A_234] : memref<2x128x128xf32, #tpu.memory_space<vmem>> -> memref<1x128x128xf32, #tpu.memory_space<vmem>>
      %get3A_236 = tpu.memref_squeeze %get3A_235 : memref<1x128x128xf32, #tpu.memory_space<vmem>> -> memref<128x128xf32, #tpu.memory_space<vmem>>
      %get3A_237 = arith.index_cast %add3A_167 : i32 to index
      %get3A_238 = arith.constant 48 : index
      %get3A_239 = tpu.vector_load %get3A_236[%get3A_237, %get3A_238] {strides = array<i32>} : memref<128x128xf32, #tpu.memory_space<vmem>>, vector<1x16xf32>,
      %get3A_240 = vector.shape_cast %get3A_239 : vector<1x16xf32> to vector<16xf32>
      %mul3A_241 = arith.mulf %get3A_232, %get3A_240 : vector<16xf32>
      %mul3A_242 = arith.mulf %mul3A_241, %get3A_43 : vector<16xf32>
      %add3A_243 = arith.addf %add3A_224, %mul3A_242 : vector<16xf32>
      %get3A_244 = arith.constant 0 : i32
      %get3A_245 = arith.constant 0 : i32
      %get3A_246 = tpu.memref_slice %arg10[%select_n3A_142, %get3A_244, %get3A_245] : memref<2x128x128xf32, #tpu.memory_space<vmem>> -> memref<1x128x128xf32, #tpu.memory_space<vmem>>
      %get3A_247 = tpu.memref_squeeze %get3A_246 : memref<1x128x128xf32, #tpu.memory_space<vmem>> -> memref<128x128xf32, #tpu.memory_space<vmem>>
      %get3A_248 = arith.index_cast %add3A_167 : i32 to index
      %get3A_249 = arith.constant 64 : index
      %get3A_250 = tpu.vector_load %get3A_247[%get3A_248, %get3A_249] {strides = array<i32>} : memref<128x128xf32, #tpu.memory_space<vmem>>, vector<1x16xf32>,
      %get3A_251 = vector.shape_cast %get3A_250 : vector<1x16xf32> to vector<16xf32>
      %get3A_252 = arith.constant 0 : i32
      %get3A_253 = arith.constant 0 : i32
      %get3A_254 = tpu.memref_slice %arg11[%select_n3A_142, %get3A_252, %get3A_253] : memref<2x128x128xf32, #tpu.memory_space<vmem>> -> memref<1x128x128xf32, #tpu.memory_space<vmem>>
      %get3A_255 = tpu.memref_squeeze %get3A_254 : memref<1x128x128xf32, #tpu.memory_space<vmem>> -> memref<128x128xf32, #tpu.memory_space<vmem>>
      %get3A_256 = arith.index_cast %add3A_167 : i32 to index
      %get3A_257 = arith.constant 64 : index
      %get3A_258 = tpu.vector_load %get3A_255[%get3A_256, %get3A_257] {strides = array<i32>} : memref<128x128xf32, #tpu.memory_space<vmem>>, vector<1x16xf32>,
      %get3A_259 = vector.shape_cast %get3A_258 : vector<1x16xf32> to vector<16xf32>
      %mul3A_260 = arith.mulf %get3A_251, %get3A_259 : vector<16xf32>
      %mul3A_261 = arith.mulf %mul3A_260, %get3A_46 : vector<16xf32>
      %add3A_262 = arith.addf %add3A_243, %mul3A_261 : vector<16xf32>
      %get3A_263 = arith.constant 0 : i32
      %get3A_264 = arith.constant 0 : i32
      %get3A_265 = tpu.memref_slice %arg10[%select_n3A_142, %get3A_263, %get3A_264] : memref<2x128x128xf32, #tpu.memory_space<vmem>> -> memref<1x128x128xf32, #tpu.memory_space<vmem>>
      %get3A_266 = tpu.memref_squeeze %get3A_265 : memref<1x128x128xf32, #tpu.memory_space<vmem>> -> memref<128x128xf32, #tpu.memory_space<vmem>>
      %get3A_267 = arith.index_cast %add3A_167 : i32 to index
      %get3A_268 = arith.constant 80 : index
      %get3A_269 = tpu.vector_load %get3A_266[%get3A_267, %get3A_268] {strides = array<i32>} : memref<128x128xf32, #tpu.memory_space<vmem>>, vector<1x16xf32>,
      %get3A_270 = vector.shape_cast %get3A_269 : vector<1x16xf32> to vector<16xf32>
      %get3A_271 = arith.constant 0 : i32
      %get3A_272 = arith.constant 0 : i32
      %get3A_273 = tpu.memref_slice %arg11[%select_n3A_142, %get3A_271, %get3A_272] : memref<2x128x128xf32, #tpu.memory_space<vmem>> -> memref<1x128x128xf32, #tpu.memory_space<vmem>>
      %get3A_274 = tpu.memref_squeeze %get3A_273 : memref<1x128x128xf32, #tpu.memory_space<vmem>> -> memref<128x128xf32, #tpu.memory_space<vmem>>
      %get3A_275 = arith.index_cast %add3A_167 : i32 to index
      %get3A_276 = arith.constant 80 : index
      %get3A_277 = tpu.vector_load %get3A_274[%get3A_275, %get3A_276] {strides = array<i32>} : memref<128x128xf32, #tpu.memory_space<vmem>>, vector<1x16xf32>,
      %get3A_278 = vector.shape_cast %get3A_277 : vector<1x16xf32> to vector<16xf32>
      %mul3A_279 = arith.mulf %get3A_270, %get3A_278 : vector<16xf32>
      %mul3A_280 = arith.mulf %mul3A_279, %get3A_49 : vector<16xf32>
      %add3A_281 = arith.addf %add3A_262, %mul3A_280 : vector<16xf32>
      %get3A_282 = arith.constant 0 : i32
      %get3A_283 = arith.constant 0 : i32
      %get3A_284 = tpu.memref_slice %arg10[%select_n3A_142, %get3A_282, %get3A_283] : memref<2x128x128xf32, #tpu.memory_space<vmem>> -> memref<1x128x128xf32, #tpu.memory_space<vmem>>
      %get3A_285 = tpu.memref_squeeze %get3A_284 : memref<1x128x128xf32, #tpu.memory_space<vmem>> -> memref<128x128xf32, #tpu.memory_space<vmem>>
      %get3A_286 = arith.index_cast %add3A_167 : i32 to index
      %get3A_287 = arith.constant 96 : index
      %get3A_288 = tpu.vector_load %get3A_285[%get3A_286, %get3A_287] {strides = array<i32>} : memref<128x128xf32, #tpu.memory_space<vmem>>, vector<1x16xf32>,
      %get3A_289 = vector.shape_cast %get3A_288 : vector<1x16xf32> to vector<16xf32>
      %get3A_290 = arith.constant 0 : i32
      %get3A_291 = arith.constant 0 : i32
      %get3A_292 = tpu.memref_slice %arg11[%select_n3A_142, %get3A_290, %get3A_291] : memref<2x128x128xf32, #tpu.memory_space<vmem>> -> memref<1x128x128xf32, #tpu.memory_space<vmem>>
      %get3A_293 = tpu.memref_squeeze %get3A_292 : memref<1x128x128xf32, #tpu.memory_space<vmem>> -> memref<128x128xf32, #tpu.memory_space<vmem>>
      %get3A_294 = arith.index_cast %add3A_167 : i32 to index
      %get3A_295 = arith.constant 96 : index
      %get3A_296 = tpu.vector_load %get3A_293[%get3A_294, %get3A_295] {strides = array<i32>} : memref<128x128xf32, #tpu.memory_space<vmem>>, vector<1x16xf32>,
      %get3A_297 = vector.shape_cast %get3A_296 : vector<1x16xf32> to vector<16xf32>
      %mul3A_298 = arith.mulf %get3A_289, %get3A_297 : vector<16xf32>
      %mul3A_299 = arith.mulf %mul3A_298, %get3A_52 : vector<16xf32>
      %add3A_300 = arith.addf %add3A_281, %mul3A_299 : vector<16xf32>
      %get3A_301 = arith.constant 0 : i32
      %get3A_302 = arith.constant 0 : i32
      %get3A_303 = tpu.memref_slice %arg10[%select_n3A_142, %get3A_301, %get3A_302] : memref<2x128x128xf32, #tpu.memory_space<vmem>> -> memref<1x128x128xf32, #tpu.memory_space<vmem>>
      %get3A_304 = tpu.memref_squeeze %get3A_303 : memref<1x128x128xf32, #tpu.memory_space<vmem>> -> memref<128x128xf32, #tpu.memory_space<vmem>>
      %get3A_305 = arith.index_cast %add3A_167 : i32 to index
      %get3A_306 = arith.constant 112 : index
      %get3A_307 = tpu.vector_load %get3A_304[%get3A_305, %get3A_306] {strides = array<i32>} : memref<128x128xf32, #tpu.memory_space<vmem>>, vector<1x16xf32>,
      %get3A_308 = vector.shape_cast %get3A_307 : vector<1x16xf32> to vector<16xf32>
      %get3A_309 = arith.constant 0 : i32
      %get3A_310 = arith.constant 0 : i32
      %get3A_311 = tpu.memref_slice %arg11[%select_n3A_142, %get3A_309, %get3A_310] : memref<2x128x128xf32, #tpu.memory_space<vmem>> -> memref<1x128x128xf32, #tpu.memory_space<vmem>>
      %get3A_312 = tpu.memref_squeeze %get3A_311 : memref<1x128x128xf32, #tpu.memory_space<vmem>> -> memref<128x128xf32, #tpu.memory_space<vmem>>
      %get3A_313 = arith.index_cast %add3A_167 : i32 to index
      %get3A_314 = arith.constant 112 : index
      %get3A_315 = tpu.vector_load %get3A_312[%get3A_313, %get3A_314] {strides = array<i32>} : memref<128x128xf32, #tpu.memory_space<vmem>>, vector<1x16xf32>,
      %get3A_316 = vector.shape_cast %get3A_315 : vector<1x16xf32> to vector<16xf32>
      %mul3A_317 = arith.mulf %get3A_308, %get3A_316 : vector<16xf32>
      %mul3A_318 = arith.mulf %mul3A_317, %get3A_55 : vector<16xf32>
      %add3A_319 = arith.addf %add3A_300, %mul3A_318 : vector<16xf32>
      %xor3A = arith.constant 8 : i32
      %xor3A_320 = vector.broadcast %xor3A : i32 to vector<16xi32>
      %xor3A_321 = arith.xori %iota3A, %xor3A_320 : vector<16xi32>
      %broadcast_in_dim3A_322 = vector.shape_cast %xor3A_321 : vector<16xi32> to vector<16x1xi32>
      %gather3A = vector.shape_cast %broadcast_in_dim3A_322 : vector<16x1xi32> to vector<16xi32>
      %gather3A_323 = tpu.dynamic_gather %add3A_319[%gather3A] in [0] : vector<16xf32>, vector<16xi32> -> vector<16xf32>
      %add3A_324 = arith.addf %add3A_319, %gather3A_323 : vector<16xf32>
      %xor3A_325 = arith.constant 4 : i32
      %xor3A_326 = vector.broadcast %xor3A_325 : i32 to vector<16xi32>
      %xor3A_327 = arith.xori %iota3A, %xor3A_326 : vector<16xi32>
      %broadcast_in_dim3A_328 = vector.shape_cast %xor3A_327 : vector<16xi32> to vector<16x1xi32>
      %gather3A_329 = vector.shape_cast %broadcast_in_dim3A_328 : vector<16x1xi32> to vector<16xi32>
      %gather3A_330 = tpu.dynamic_gather %add3A_324[%gather3A_329] in [0] : vector<16xf32>, vector<16xi32> -> vector<16xf32>
      %add3A_331 = arith.addf %add3A_324, %gather3A_330 : vector<16xf32>
      %xor3A_332 = arith.constant 2 : i32
      %xor3A_333 = vector.broadcast %xor3A_332 : i32 to vector<16xi32>
      %xor3A_334 = arith.xori %iota3A, %xor3A_333 : vector<16xi32>
      %broadcast_in_dim3A_335 = vector.shape_cast %xor3A_334 : vector<16xi32> to vector<16x1xi32>
      %gather3A_336 = vector.shape_cast %broadcast_in_dim3A_335 : vector<16x1xi32> to vector<16xi32>
      %gather3A_337 = tpu.dynamic_gather %add3A_331[%gather3A_336] in [0] : vector<16xf32>, vector<16xi32> -> vector<16xf32>
      %add3A_338 = arith.addf %add3A_331, %gather3A_337 : vector<16xf32>
      %xor3A_339 = arith.constant 1 : i32
      %xor3A_340 = vector.broadcast %xor3A_339 : i32 to vector<16xi32>
      %xor3A_341 = arith.xori %iota3A, %xor3A_340 : vector<16xi32>
      %broadcast_in_dim3A_342 = vector.shape_cast %xor3A_341 : vector<16xi32> to vector<16x1xi32>
      %gather3A_343 = vector.shape_cast %broadcast_in_dim3A_342 : vector<16x1xi32> to vector<16xi32>
      %gather3A_344 = tpu.dynamic_gather %add3A_338[%gather3A_343] in [0] : vector<16xf32>, vector<16xi32> -> vector<16xf32>
      %add3A_345 = arith.addf %add3A_338, %gather3A_344 : vector<16xf32>
      %add3A_346 = arith.constant 0 : i32
      %add3A_347 = arith.addi %mul3A_163, %add3A_346 : i32
      %eq3A_348 = vector.broadcast %add3A_347 : i32 to vector<16xi32>
      %eq3A_349 = arith.cmpi eq, %iota3A, %eq3A_348 : vector<16xi32>
      %select_n3A_350 = arith.select %eq3A_349, %add3A_345, %broadcast_in_dim3A_15 : vector<16xi1>, vector<16xf32>
      %mul3A_351 = arith.constant 4 : i32
      %mul3A_352 = arith.muli %select_n3A_126, %mul3A_351 : i32
      %add3A_353 = arith.constant 1 : i32
      %add3A_354 = arith.addi %mul3A_352, %add3A_353 : i32
      %get3A_355 = arith.constant 0 : i32
      %get3A_356 = arith.constant 0 : i32
      %get3A_357 = tpu.memref_slice %arg10[%select_n3A_142, %get3A_355, %get3A_356] : memref<2x128x128xf32, #tpu.memory_space<vmem>> -> memref<1x128x128xf32, #tpu.memory_space<vmem>>
      %get3A_358 = tpu.memref_squeeze %get3A_357 : memref<1x128x128xf32, #tpu.memory_space<vmem>> -> memref<128x128xf32, #tpu.memory_space<vmem>>
      %get3A_359 = arith.index_cast %add3A_354 : i32 to index
      %get3A_360 = arith.constant 0 : index
      %get3A_361 = tpu.vector_load %get3A_358[%get3A_359, %get3A_360] {strides = array<i32>} : memref<128x128xf32, #tpu.memory_space<vmem>>, vector<1x16xf32>,
      %get3A_362 = vector.shape_cast %get3A_361 : vector<1x16xf32> to vector<16xf32>
      %get3A_363 = arith.constant 0 : i32
      %get3A_364 = arith.constant 0 : i32
      %get3A_365 = tpu.memref_slice %arg11[%select_n3A_142, %get3A_363, %get3A_364] : memref<2x128x128xf32, #tpu.memory_space<vmem>> -> memref<1x128x128xf32, #tpu.memory_space<vmem>>
      %get3A_366 = tpu.memref_squeeze %get3A_365 : memref<1x128x128xf32, #tpu.memory_space<vmem>> -> memref<128x128xf32, #tpu.memory_space<vmem>>
      %get3A_367 = arith.index_cast %add3A_354 : i32 to index
      %get3A_368 = arith.constant 0 : index
      %get3A_369 = tpu.vector_load %get3A_366[%get3A_367, %get3A_368] {strides = array<i32>} : memref<128x128xf32, #tpu.memory_space<vmem>>, vector<1x16xf32>,
      %get3A_370 = vector.shape_cast %get3A_369 : vector<1x16xf32> to vector<16xf32>
      %mul3A_371 = arith.mulf %get3A_362, %get3A_370 : vector<16xf32>
      %mul3A_372 = arith.mulf %mul3A_371, %get3A_34 : vector<16xf32>
      %add3A_373 = arith.addf %broadcast_in_dim3A_15, %mul3A_372 : vector<16xf32>
      %get3A_374 = arith.constant 0 : i32
      %get3A_375 = arith.constant 0 : i32
      %get3A_376 = tpu.memref_slice %arg10[%select_n3A_142, %get3A_374, %get3A_375] : memref<2x128x128xf32, #tpu.memory_space<vmem>> -> memref<1x128x128xf32, #tpu.memory_space<vmem>>
      %get3A_377 = tpu.memref_squeeze %get3A_376 : memref<1x128x128xf32, #tpu.memory_space<vmem>> -> memref<128x128xf32, #tpu.memory_space<vmem>>
      %get3A_378 = arith.index_cast %add3A_354 : i32 to index
      %get3A_379 = arith.constant 16 : index
      %get3A_380 = tpu.vector_load %get3A_377[%get3A_378, %get3A_379] {strides = array<i32>} : memref<128x128xf32, #tpu.memory_space<vmem>>, vector<1x16xf32>,
      %get3A_381 = vector.shape_cast %get3A_380 : vector<1x16xf32> to vector<16xf32>
      %get3A_382 = arith.constant 0 : i32
      %get3A_383 = arith.constant 0 : i32
      %get3A_384 = tpu.memref_slice %arg11[%select_n3A_142, %get3A_382, %get3A_383] : memref<2x128x128xf32, #tpu.memory_space<vmem>> -> memref<1x128x128xf32, #tpu.memory_space<vmem>>
      %get3A_385 = tpu.memref_squeeze %get3A_384 : memref<1x128x128xf32, #tpu.memory_space<vmem>> -> memref<128x128xf32, #tpu.memory_space<vmem>>
      %get3A_386 = arith.index_cast %add3A_354 : i32 to index
      %get3A_387 = arith.constant 16 : index
      %get3A_388 = tpu.vector_load %get3A_385[%get3A_386, %get3A_387] {strides = array<i32>} : memref<128x128xf32, #tpu.memory_space<vmem>>, vector<1x16xf32>,
      %get3A_389 = vector.shape_cast %get3A_388 : vector<1x16xf32> to vector<16xf32>
      %mul3A_390 = arith.mulf %get3A_381, %get3A_389 : vector<16xf32>
      %mul3A_391 = arith.mulf %mul3A_390, %get3A_37 : vector<16xf32>
      %add3A_392 = arith.addf %add3A_373, %mul3A_391 : vector<16xf32>
      %get3A_393 = arith.constant 0 : i32
      %get3A_394 = arith.constant 0 : i32
      %get3A_395 = tpu.memref_slice %arg10[%select_n3A_142, %get3A_393, %get3A_394] : memref<2x128x128xf32, #tpu.memory_space<vmem>> -> memref<1x128x128xf32, #tpu.memory_space<vmem>>
      %get3A_396 = tpu.memref_squeeze %get3A_395 : memref<1x128x128xf32, #tpu.memory_space<vmem>> -> memref<128x128xf32, #tpu.memory_space<vmem>>
      %get3A_397 = arith.index_cast %add3A_354 : i32 to index
      %get3A_398 = arith.constant 32 : index
      %get3A_399 = tpu.vector_load %get3A_396[%get3A_397, %get3A_398] {strides = array<i32>} : memref<128x128xf32, #tpu.memory_space<vmem>>, vector<1x16xf32>,
      %get3A_400 = vector.shape_cast %get3A_399 : vector<1x16xf32> to vector<16xf32>
      %get3A_401 = arith.constant 0 : i32
      %get3A_402 = arith.constant 0 : i32
      %get3A_403 = tpu.memref_slice %arg11[%select_n3A_142, %get3A_401, %get3A_402] : memref<2x128x128xf32, #tpu.memory_space<vmem>> -> memref<1x128x128xf32, #tpu.memory_space<vmem>>
      %get3A_404 = tpu.memref_squeeze %get3A_403 : memref<1x128x128xf32, #tpu.memory_space<vmem>> -> memref<128x128xf32, #tpu.memory_space<vmem>>
      %get3A_405 = arith.index_cast %add3A_354 : i32 to index
      %get3A_406 = arith.constant 32 : index
      %get3A_407 = tpu.vector_load %get3A_404[%get3A_405, %get3A_406] {strides = array<i32>} : memref<128x128xf32, #tpu.memory_space<vmem>>, vector<1x16xf32>,
      %get3A_408 = vector.shape_cast %get3A_407 : vector<1x16xf32> to vector<16xf32>
      %mul3A_409 = arith.mulf %get3A_400, %get3A_408 : vector<16xf32>
      %mul3A_410 = arith.mulf %mul3A_409, %get3A_40 : vector<16xf32>
      %add3A_411 = arith.addf %add3A_392, %mul3A_410 : vector<16xf32>
      %get3A_412 = arith.constant 0 : i32
      %get3A_413 = arith.constant 0 : i32
      %get3A_414 = tpu.memref_slice %arg10[%select_n3A_142, %get3A_412, %get3A_413] : memref<2x128x128xf32, #tpu.memory_space<vmem>> -> memref<1x128x128xf32, #tpu.memory_space<vmem>>
      %get3A_415 = tpu.memref_squeeze %get3A_414 : memref<1x128x128xf32, #tpu.memory_space<vmem>> -> memref<128x128xf32, #tpu.memory_space<vmem>>
      %get3A_416 = arith.index_cast %add3A_354 : i32 to index
      %get3A_417 = arith.constant 48 : index
      %get3A_418 = tpu.vector_load %get3A_415[%get3A_416, %get3A_417] {strides = array<i32>} : memref<128x128xf32, #tpu.memory_space<vmem>>, vector<1x16xf32>,
      %get3A_419 = vector.shape_cast %get3A_418 : vector<1x16xf32> to vector<16xf32>
      %get3A_420 = arith.constant 0 : i32
      %get3A_421 = arith.constant 0 : i32
      %get3A_422 = tpu.memref_slice %arg11[%select_n3A_142, %get3A_420, %get3A_421] : memref<2x128x128xf32, #tpu.memory_space<vmem>> -> memref<1x128x128xf32, #tpu.memory_space<vmem>>
      %get3A_423 = tpu.memref_squeeze %get3A_422 : memref<1x128x128xf32, #tpu.memory_space<vmem>> -> memref<128x128xf32, #tpu.memory_space<vmem>>
      %get3A_424 = arith.index_cast %add3A_354 : i32 to index
      %get3A_425 = arith.constant 48 : index
      %get3A_426 = tpu.vector_load %get3A_423[%get3A_424, %get3A_425] {strides = array<i32>} : memref<128x128xf32, #tpu.memory_space<vmem>>, vector<1x16xf32>,
      %get3A_427 = vector.shape_cast %get3A_426 : vector<1x16xf32> to vector<16xf32>
      %mul3A_428 = arith.mulf %get3A_419, %get3A_427 : vector<16xf32>
      %mul3A_429 = arith.mulf %mul3A_428, %get3A_43 : vector<16xf32>
      %add3A_430 = arith.addf %add3A_411, %mul3A_429 : vector<16xf32>
      %get3A_431 = arith.constant 0 : i32
      %get3A_432 = arith.constant 0 : i32
      %get3A_433 = tpu.memref_slice %arg10[%select_n3A_142, %get3A_431, %get3A_432] : memref<2x128x128xf32, #tpu.memory_space<vmem>> -> memref<1x128x128xf32, #tpu.memory_space<vmem>>
      %get3A_434 = tpu.memref_squeeze %get3A_433 : memref<1x128x128xf32, #tpu.memory_space<vmem>> -> memref<128x128xf32, #tpu.memory_space<vmem>>
      %get3A_435 = arith.index_cast %add3A_354 : i32 to index
      %get3A_436 = arith.constant 64 : index
      %get3A_437 = tpu.vector_load %get3A_434[%get3A_435, %get3A_436] {strides = array<i32>} : memref<128x128xf32, #tpu.memory_space<vmem>>, vector<1x16xf32>,
      %get3A_438 = vector.shape_cast %get3A_437 : vector<1x16xf32> to vector<16xf32>
      %get3A_439 = arith.constant 0 : i32
      %get3A_440 = arith.constant 0 : i32
      %get3A_441 = tpu.memref_slice %arg11[%select_n3A_142, %get3A_439, %get3A_440] : memref<2x128x128xf32, #tpu.memory_space<vmem>> -> memref<1x128x128xf32, #tpu.memory_space<vmem>>
      %get3A_442 = tpu.memref_squeeze %get3A_441 : memref<1x128x128xf32, #tpu.memory_space<vmem>> -> memref<128x128xf32, #tpu.memory_space<vmem>>
      %get3A_443 = arith.index_cast %add3A_354 : i32 to index
      %get3A_444 = arith.constant 64 : index
      %get3A_445 = tpu.vector_load %get3A_442[%get3A_443, %get3A_444] {strides = array<i32>} : memref<128x128xf32, #tpu.memory_space<vmem>>, vector<1x16xf32>,
      %get3A_446 = vector.shape_cast %get3A_445 : vector<1x16xf32> to vector<16xf32>
      %mul3A_447 = arith.mulf %get3A_438, %get3A_446 : vector<16xf32>
      %mul3A_448 = arith.mulf %mul3A_447, %get3A_46 : vector<16xf32>
      %add3A_449 = arith.addf %add3A_430, %mul3A_448 : vector<16xf32>
      %get3A_450 = arith.constant 0 : i32
      %get3A_451 = arith.constant 0 : i32
      %get3A_452 = tpu.memref_slice %arg10[%select_n3A_142, %get3A_450, %get3A_451] : memref<2x128x128xf32, #tpu.memory_space<vmem>> -> memref<1x128x128xf32, #tpu.memory_space<vmem>>
      %get3A_453 = tpu.memref_squeeze %get3A_452 : memref<1x128x128xf32, #tpu.memory_space<vmem>> -> memref<128x128xf32, #tpu.memory_space<vmem>>
      %get3A_454 = arith.index_cast %add3A_354 : i32 to index
      %get3A_455 = arith.constant 80 : index
      %get3A_456 = tpu.vector_load %get3A_453[%get3A_454, %get3A_455] {strides = array<i32>} : memref<128x128xf32, #tpu.memory_space<vmem>>, vector<1x16xf32>,
      %get3A_457 = vector.shape_cast %get3A_456 : vector<1x16xf32> to vector<16xf32>
      %get3A_458 = arith.constant 0 : i32
      %get3A_459 = arith.constant 0 : i32
      %get3A_460 = tpu.memref_slice %arg11[%select_n3A_142, %get3A_458, %get3A_459] : memref<2x128x128xf32, #tpu.memory_space<vmem>> -> memref<1x128x128xf32, #tpu.memory_space<vmem>>
      %get3A_461 = tpu.memref_squeeze %get3A_460 : memref<1x128x128xf32, #tpu.memory_space<vmem>> -> memref<128x128xf32, #tpu.memory_space<vmem>>
      %get3A_462 = arith.index_cast %add3A_354 : i32 to index
      %get3A_463 = arith.constant 80 : index
      %get3A_464 = tpu.vector_load %get3A_461[%get3A_462, %get3A_463] {strides = array<i32>} : memref<128x128xf32, #tpu.memory_space<vmem>>, vector<1x16xf32>,
      %get3A_465 = vector.shape_cast %get3A_464 : vector<1x16xf32> to vector<16xf32>
      %mul3A_466 = arith.mulf %get3A_457, %get3A_465 : vector<16xf32>
      %mul3A_467 = arith.mulf %mul3A_466, %get3A_49 : vector<16xf32>
      %add3A_468 = arith.addf %add3A_449, %mul3A_467 : vector<16xf32>
      %get3A_469 = arith.constant 0 : i32
      %get3A_470 = arith.constant 0 : i32
      %get3A_471 = tpu.memref_slice %arg10[%select_n3A_142, %get3A_469, %get3A_470] : memref<2x128x128xf32, #tpu.memory_space<vmem>> -> memref<1x128x128xf32, #tpu.memory_space<vmem>>
      %get3A_472 = tpu.memref_squeeze %get3A_471 : memref<1x128x128xf32, #tpu.memory_space<vmem>> -> memref<128x128xf32, #tpu.memory_space<vmem>>
      %get3A_473 = arith.index_cast %add3A_354 : i32 to index
      %get3A_474 = arith.constant 96 : index
      %get3A_475 = tpu.vector_load %get3A_472[%get3A_473, %get3A_474] {strides = array<i32>} : memref<128x128xf32, #tpu.memory_space<vmem>>, vector<1x16xf32>,
      %get3A_476 = vector.shape_cast %get3A_475 : vector<1x16xf32> to vector<16xf32>
      %get3A_477 = arith.constant 0 : i32
      %get3A_478 = arith.constant 0 : i32
      %get3A_479 = tpu.memref_slice %arg11[%select_n3A_142, %get3A_477, %get3A_478] : memref<2x128x128xf32, #tpu.memory_space<vmem>> -> memref<1x128x128xf32, #tpu.memory_space<vmem>>
      %get3A_480 = tpu.memref_squeeze %get3A_479 : memref<1x128x128xf32, #tpu.memory_space<vmem>> -> memref<128x128xf32, #tpu.memory_space<vmem>>
      %get3A_481 = arith.index_cast %add3A_354 : i32 to index
      %get3A_482 = arith.constant 96 : index
      %get3A_483 = tpu.vector_load %get3A_480[%get3A_481, %get3A_482] {strides = array<i32>} : memref<128x128xf32, #tpu.memory_space<vmem>>, vector<1x16xf32>,
      %get3A_484 = vector.shape_cast %get3A_483 : vector<1x16xf32> to vector<16xf32>
      %mul3A_485 = arith.mulf %get3A_476, %get3A_484 : vector<16xf32>
      %mul3A_486 = arith.mulf %mul3A_485, %get3A_52 : vector<16xf32>
      %add3A_487 = arith.addf %add3A_468, %mul3A_486 : vector<16xf32>
      %get3A_488 = arith.constant 0 : i32
      %get3A_489 = arith.constant 0 : i32
      %get3A_490 = tpu.memref_slice %arg10[%select_n3A_142, %get3A_488, %get3A_489] : memref<2x128x128xf32, #tpu.memory_space<vmem>> -> memref<1x128x128xf32, #tpu.memory_space<vmem>>
      %get3A_491 = tpu.memref_squeeze %get3A_490 : memref<1x128x128xf32, #tpu.memory_space<vmem>> -> memref<128x128xf32, #tpu.memory_space<vmem>>
      %get3A_492 = arith.index_cast %add3A_354 : i32 to index
      %get3A_493 = arith.constant 112 : index
      %get3A_494 = tpu.vector_load %get3A_491[%get3A_492, %get3A_493] {strides = array<i32>} : memref<128x128xf32, #tpu.memory_space<vmem>>, vector<1x16xf32>,
      %get3A_495 = vector.shape_cast %get3A_494 : vector<1x16xf32> to vector<16xf32>
      %get3A_496 = arith.constant 0 : i32
      %get3A_497 = arith.constant 0 : i32
      %get3A_498 = tpu.memref_slice %arg11[%select_n3A_142, %get3A_496, %get3A_497] : memref<2x128x128xf32, #tpu.memory_space<vmem>> -> memref<1x128x128xf32, #tpu.memory_space<vmem>>
      %get3A_499 = tpu.memref_squeeze %get3A_498 : memref<1x128x128xf32, #tpu.memory_space<vmem>> -> memref<128x128xf32, #tpu.memory_space<vmem>>
      %get3A_500 = arith.index_cast %add3A_354 : i32 to index
      %get3A_501 = arith.constant 112 : index
      %get3A_502 = tpu.vector_load %get3A_499[%get3A_500, %get3A_501] {strides = array<i32>} : memref<128x128xf32, #tpu.memory_space<vmem>>, vector<1x16xf32>,
      %get3A_503 = vector.shape_cast %get3A_502 : vector<1x16xf32> to vector<16xf32>
      %mul3A_504 = arith.mulf %get3A_495, %get3A_503 : vector<16xf32>
      %mul3A_505 = arith.mulf %mul3A_504, %get3A_55 : vector<16xf32>
      %add3A_506 = arith.addf %add3A_487, %mul3A_505 : vector<16xf32>
      %xor3A_507 = arith.constant 8 : i32
      %xor3A_508 = vector.broadcast %xor3A_507 : i32 to vector<16xi32>
      %xor3A_509 = arith.xori %iota3A, %xor3A_508 : vector<16xi32>
      %broadcast_in_dim3A_510 = vector.shape_cast %xor3A_509 : vector<16xi32> to vector<16x1xi32>
      %gather3A_511 = vector.shape_cast %broadcast_in_dim3A_510 : vector<16x1xi32> to vector<16xi32>
      %gather3A_512 = tpu.dynamic_gather %add3A_506[%gather3A_511] in [0] : vector<16xf32>, vector<16xi32> -> vector<16xf32>
      %add3A_513 = arith.addf %add3A_506, %gather3A_512 : vector<16xf32>
      %xor3A_514 = arith.constant 4 : i32
      %xor3A_515 = vector.broadcast %xor3A_514 : i32 to vector<16xi32>
      %xor3A_516 = arith.xori %iota3A, %xor3A_515 : vector<16xi32>
      %broadcast_in_dim3A_517 = vector.shape_cast %xor3A_516 : vector<16xi32> to vector<16x1xi32>
      %gather3A_518 = vector.shape_cast %broadcast_in_dim3A_517 : vector<16x1xi32> to vector<16xi32>
      %gather3A_519 = tpu.dynamic_gather %add3A_513[%gather3A_518] in [0] : vector<16xf32>, vector<16xi32> -> vector<16xf32>
      %add3A_520 = arith.addf %add3A_513, %gather3A_519 : vector<16xf32>
      %xor3A_521 = arith.constant 2 : i32
      %xor3A_522 = vector.broadcast %xor3A_521 : i32 to vector<16xi32>
      %xor3A_523 = arith.xori %iota3A, %xor3A_522 : vector<16xi32>
      %broadcast_in_dim3A_524 = vector.shape_cast %xor3A_523 : vector<16xi32> to vector<16x1xi32>
      %gather3A_525 = vector.shape_cast %broadcast_in_dim3A_524 : vector<16x1xi32> to vector<16xi32>
      %gather3A_526 = tpu.dynamic_gather %add3A_520[%gather3A_525] in [0] : vector<16xf32>, vector<16xi32> -> vector<16xf32>
      %add3A_527 = arith.addf %add3A_520, %gather3A_526 : vector<16xf32>
      %xor3A_528 = arith.constant 1 : i32
      %xor3A_529 = vector.broadcast %xor3A_528 : i32 to vector<16xi32>
      %xor3A_530 = arith.xori %iota3A, %xor3A_529 : vector<16xi32>
      %broadcast_in_dim3A_531 = vector.shape_cast %xor3A_530 : vector<16xi32> to vector<16x1xi32>
      %gather3A_532 = vector.shape_cast %broadcast_in_dim3A_531 : vector<16x1xi32> to vector<16xi32>
      %gather3A_533 = tpu.dynamic_gather %add3A_527[%gather3A_532] in [0] : vector<16xf32>, vector<16xi32> -> vector<16xf32>
      %add3A_534 = arith.addf %add3A_527, %gather3A_533 : vector<16xf32>
      %add3A_535 = arith.constant 1 : i32
      %add3A_536 = arith.addi %mul3A_163, %add3A_535 : i32
      %eq3A_537 = vector.broadcast %add3A_536 : i32 to vector<16xi32>
      %eq3A_538 = arith.cmpi eq, %iota3A, %eq3A_537 : vector<16xi32>
      %select_n3A_539 = arith.select %eq3A_538, %add3A_534, %select_n3A_350 : vector<16xi1>, vector<16xf32>
      %mul3A_540 = arith.constant 4 : i32
      %mul3A_541 = arith.muli %select_n3A_126, %mul3A_540 : i32
      %add3A_542 = arith.constant 2 : i32
      %add3A_543 = arith.addi %mul3A_541, %add3A_542 : i32
      %get3A_544 = arith.constant 0 : i32
      %get3A_545 = arith.constant 0 : i32
      %get3A_546 = tpu.memref_slice %arg10[%select_n3A_142, %get3A_544, %get3A_545] : memref<2x128x128xf32, #tpu.memory_space<vmem>> -> memref<1x128x128xf32, #tpu.memory_space<vmem>>
      %get3A_547 = tpu.memref_squeeze %get3A_546 : memref<1x128x128xf32, #tpu.memory_space<vmem>> -> memref<128x128xf32, #tpu.memory_space<vmem>>
      %get3A_548 = arith.index_cast %add3A_543 : i32 to index
      %get3A_549 = arith.constant 0 : index
      %get3A_550 = tpu.vector_load %get3A_547[%get3A_548, %get3A_549] {strides = array<i32>} : memref<128x128xf32, #tpu.memory_space<vmem>>, vector<1x16xf32>,
      %get3A_551 = vector.shape_cast %get3A_550 : vector<1x16xf32> to vector<16xf32>
      %get3A_552 = arith.constant 0 : i32
      %get3A_553 = arith.constant 0 : i32
      %get3A_554 = tpu.memref_slice %arg11[%select_n3A_142, %get3A_552, %get3A_553] : memref<2x128x128xf32, #tpu.memory_space<vmem>> -> memref<1x128x128xf32, #tpu.memory_space<vmem>>
      %get3A_555 = tpu.memref_squeeze %get3A_554 : memref<1x128x128xf32, #tpu.memory_space<vmem>> -> memref<128x128xf32, #tpu.memory_space<vmem>>
      %get3A_556 = arith.index_cast %add3A_543 : i32 to index
      %get3A_557 = arith.constant 0 : index
      %get3A_558 = tpu.vector_load %get3A_555[%get3A_556, %get3A_557] {strides = array<i32>} : memref<128x128xf32, #tpu.memory_space<vmem>>, vector<1x16xf32>,
      %get3A_559 = vector.shape_cast %get3A_558 : vector<1x16xf32> to vector<16xf32>
      %mul3A_560 = arith.mulf %get3A_551, %get3A_559 : vector<16xf32>
      %mul3A_561 = arith.mulf %mul3A_560, %get3A_34 : vector<16xf32>
      %add3A_562 = arith.addf %broadcast_in_dim3A_15, %mul3A_561 : vector<16xf32>
      %get3A_563 = arith.constant 0 : i32
      %get3A_564 = arith.constant 0 : i32
      %get3A_565 = tpu.memref_slice %arg10[%select_n3A_142, %get3A_563, %get3A_564] : memref<2x128x128xf32, #tpu.memory_space<vmem>> -> memref<1x128x128xf32, #tpu.memory_space<vmem>>
      %get3A_566 = tpu.memref_squeeze %get3A_565 : memref<1x128x128xf32, #tpu.memory_space<vmem>> -> memref<128x128xf32, #tpu.memory_space<vmem>>
      %get3A_567 = arith.index_cast %add3A_543 : i32 to index
      %get3A_568 = arith.constant 16 : index
      %get3A_569 = tpu.vector_load %get3A_566[%get3A_567, %get3A_568] {strides = array<i32>} : memref<128x128xf32, #tpu.memory_space<vmem>>, vector<1x16xf32>,
      %get3A_570 = vector.shape_cast %get3A_569 : vector<1x16xf32> to vector<16xf32>
      %get3A_571 = arith.constant 0 : i32
      %get3A_572 = arith.constant 0 : i32
      %get3A_573 = tpu.memref_slice %arg11[%select_n3A_142, %get3A_571, %get3A_572] : memref<2x128x128xf32, #tpu.memory_space<vmem>> -> memref<1x128x128xf32, #tpu.memory_space<vmem>>
      %get3A_574 = tpu.memref_squeeze %get3A_573 : memref<1x128x128xf32, #tpu.memory_space<vmem>> -> memref<128x128xf32, #tpu.memory_space<vmem>>
      %get3A_575 = arith.index_cast %add3A_543 : i32 to index
      %get3A_576 = arith.constant 16 : index
      %get3A_577 = tpu.vector_load %get3A_574[%get3A_575, %get3A_576] {strides = array<i32>} : memref<128x128xf32, #tpu.memory_space<vmem>>, vector<1x16xf32>,
      %get3A_578 = vector.shape_cast %get3A_577 : vector<1x16xf32> to vector<16xf32>
      %mul3A_579 = arith.mulf %get3A_570, %get3A_578 : vector<16xf32>
      %mul3A_580 = arith.mulf %mul3A_579, %get3A_37 : vector<16xf32>
      %add3A_581 = arith.addf %add3A_562, %mul3A_580 : vector<16xf32>
      %get3A_582 = arith.constant 0 : i32
      %get3A_583 = arith.constant 0 : i32
      %get3A_584 = tpu.memref_slice %arg10[%select_n3A_142, %get3A_582, %get3A_583] : memref<2x128x128xf32, #tpu.memory_space<vmem>> -> memref<1x128x128xf32, #tpu.memory_space<vmem>>
      %get3A_585 = tpu.memref_squeeze %get3A_584 : memref<1x128x128xf32, #tpu.memory_space<vmem>> -> memref<128x128xf32, #tpu.memory_space<vmem>>
      %get3A_586 = arith.index_cast %add3A_543 : i32 to index
      %get3A_587 = arith.constant 32 : index
      %get3A_588 = tpu.vector_load %get3A_585[%get3A_586, %get3A_587] {strides = array<i32>} : memref<128x128xf32, #tpu.memory_space<vmem>>, vector<1x16xf32>,
      %get3A_589 = vector.shape_cast %get3A_588 : vector<1x16xf32> to vector<16xf32>
      %get3A_590 = arith.constant 0 : i32
      %get3A_591 = arith.constant 0 : i32
      %get3A_592 = tpu.memref_slice %arg11[%select_n3A_142, %get3A_590, %get3A_591] : memref<2x128x128xf32, #tpu.memory_space<vmem>> -> memref<1x128x128xf32, #tpu.memory_space<vmem>>
      %get3A_593 = tpu.memref_squeeze %get3A_592 : memref<1x128x128xf32, #tpu.memory_space<vmem>> -> memref<128x128xf32, #tpu.memory_space<vmem>>
      %get3A_594 = arith.index_cast %add3A_543 : i32 to index
      %get3A_595 = arith.constant 32 : index
      %get3A_596 = tpu.vector_load %get3A_593[%get3A_594, %get3A_595] {strides = array<i32>} : memref<128x128xf32, #tpu.memory_space<vmem>>, vector<1x16xf32>,
      %get3A_597 = vector.shape_cast %get3A_596 : vector<1x16xf32> to vector<16xf32>
      %mul3A_598 = arith.mulf %get3A_589, %get3A_597 : vector<16xf32>
      %mul3A_599 = arith.mulf %mul3A_598, %get3A_40 : vector<16xf32>
      %add3A_600 = arith.addf %add3A_581, %mul3A_599 : vector<16xf32>
      %get3A_601 = arith.constant 0 : i32
      %get3A_602 = arith.constant 0 : i32
      %get3A_603 = tpu.memref_slice %arg10[%select_n3A_142, %get3A_601, %get3A_602] : memref<2x128x128xf32, #tpu.memory_space<vmem>> -> memref<1x128x128xf32, #tpu.memory_space<vmem>>
      %get3A_604 = tpu.memref_squeeze %get3A_603 : memref<1x128x128xf32, #tpu.memory_space<vmem>> -> memref<128x128xf32, #tpu.memory_space<vmem>>
      %get3A_605 = arith.index_cast %add3A_543 : i32 to index
      %get3A_606 = arith.constant 48 : index
      %get3A_607 = tpu.vector_load %get3A_604[%get3A_605, %get3A_606] {strides = array<i32>} : memref<128x128xf32, #tpu.memory_space<vmem>>, vector<1x16xf32>,
      %get3A_608 = vector.shape_cast %get3A_607 : vector<1x16xf32> to vector<16xf32>
      %get3A_609 = arith.constant 0 : i32
      %get3A_610 = arith.constant 0 : i32
      %get3A_611 = tpu.memref_slice %arg11[%select_n3A_142, %get3A_609, %get3A_610] : memref<2x128x128xf32, #tpu.memory_space<vmem>> -> memref<1x128x128xf32, #tpu.memory_space<vmem>>
      %get3A_612 = tpu.memref_squeeze %get3A_611 : memref<1x128x128xf32, #tpu.memory_space<vmem>> -> memref<128x128xf32, #tpu.memory_space<vmem>>
      %get3A_613 = arith.index_cast %add3A_543 : i32 to index
      %get3A_614 = arith.constant 48 : index
      %get3A_615 = tpu.vector_load %get3A_612[%get3A_613, %get3A_614] {strides = array<i32>} : memref<128x128xf32, #tpu.memory_space<vmem>>, vector<1x16xf32>,
      %get3A_616 = vector.shape_cast %get3A_615 : vector<1x16xf32> to vector<16xf32>
      %mul3A_617 = arith.mulf %get3A_608, %get3A_616 : vector<16xf32>
      %mul3A_618 = arith.mulf %mul3A_617, %get3A_43 : vector<16xf32>
      %add3A_619 = arith.addf %add3A_600, %mul3A_618 : vector<16xf32>
      %get3A_620 = arith.constant 0 : i32
      %get3A_621 = arith.constant 0 : i32
      %get3A_622 = tpu.memref_slice %arg10[%select_n3A_142, %get3A_620, %get3A_621] : memref<2x128x128xf32, #tpu.memory_space<vmem>> -> memref<1x128x128xf32, #tpu.memory_space<vmem>>
      %get3A_623 = tpu.memref_squeeze %get3A_622 : memref<1x128x128xf32, #tpu.memory_space<vmem>> -> memref<128x128xf32, #tpu.memory_space<vmem>>
      %get3A_624 = arith.index_cast %add3A_543 : i32 to index
      %get3A_625 = arith.constant 64 : index
      %get3A_626 = tpu.vector_load %get3A_623[%get3A_624, %get3A_625] {strides = array<i32>} : memref<128x128xf32, #tpu.memory_space<vmem>>, vector<1x16xf32>,
      %get3A_627 = vector.shape_cast %get3A_626 : vector<1x16xf32> to vector<16xf32>
      %get3A_628 = arith.constant 0 : i32
      %get3A_629 = arith.constant 0 : i32
      %get3A_630 = tpu.memref_slice %arg11[%select_n3A_142, %get3A_628, %get3A_629] : memref<2x128x128xf32, #tpu.memory_space<vmem>> -> memref<1x128x128xf32, #tpu.memory_space<vmem>>
      %get3A_631 = tpu.memref_squeeze %get3A_630 : memref<1x128x128xf32, #tpu.memory_space<vmem>> -> memref<128x128xf32, #tpu.memory_space<vmem>>
      %get3A_632 = arith.index_cast %add3A_543 : i32 to index
      %get3A_633 = arith.constant 64 : index
      %get3A_634 = tpu.vector_load %get3A_631[%get3A_632, %get3A_633] {strides = array<i32>} : memref<128x128xf32, #tpu.memory_space<vmem>>, vector<1x16xf32>,
      %get3A_635 = vector.shape_cast %get3A_634 : vector<1x16xf32> to vector<16xf32>
      %mul3A_636 = arith.mulf %get3A_627, %get3A_635 : vector<16xf32>
      %mul3A_637 = arith.mulf %mul3A_636, %get3A_46 : vector<16xf32>
      %add3A_638 = arith.addf %add3A_619, %mul3A_637 : vector<16xf32>
      %get3A_639 = arith.constant 0 : i32
      %get3A_640 = arith.constant 0 : i32
      %get3A_641 = tpu.memref_slice %arg10[%select_n3A_142, %get3A_639, %get3A_640] : memref<2x128x128xf32, #tpu.memory_space<vmem>> -> memref<1x128x128xf32, #tpu.memory_space<vmem>>
      %get3A_642 = tpu.memref_squeeze %get3A_641 : memref<1x128x128xf32, #tpu.memory_space<vmem>> -> memref<128x128xf32, #tpu.memory_space<vmem>>
      %get3A_643 = arith.index_cast %add3A_543 : i32 to index
      %get3A_644 = arith.constant 80 : index
      %get3A_645 = tpu.vector_load %get3A_642[%get3A_643, %get3A_644] {strides = array<i32>} : memref<128x128xf32, #tpu.memory_space<vmem>>, vector<1x16xf32>,
      %get3A_646 = vector.shape_cast %get3A_645 : vector<1x16xf32> to vector<16xf32>
      %get3A_647 = arith.constant 0 : i32
      %get3A_648 = arith.constant 0 : i32
      %get3A_649 = tpu.memref_slice %arg11[%select_n3A_142, %get3A_647, %get3A_648] : memref<2x128x128xf32, #tpu.memory_space<vmem>> -> memref<1x128x128xf32, #tpu.memory_space<vmem>>
      %get3A_650 = tpu.memref_squeeze %get3A_649 : memref<1x128x128xf32, #tpu.memory_space<vmem>> -> memref<128x128xf32, #tpu.memory_space<vmem>>
      %get3A_651 = arith.index_cast %add3A_543 : i32 to index
      %get3A_652 = arith.constant 80 : index
      %get3A_653 = tpu.vector_load %get3A_650[%get3A_651, %get3A_652] {strides = array<i32>} : memref<128x128xf32, #tpu.memory_space<vmem>>, vector<1x16xf32>,
      %get3A_654 = vector.shape_cast %get3A_653 : vector<1x16xf32> to vector<16xf32>
      %mul3A_655 = arith.mulf %get3A_646, %get3A_654 : vector<16xf32>
      %mul3A_656 = arith.mulf %mul3A_655, %get3A_49 : vector<16xf32>
      %add3A_657 = arith.addf %add3A_638, %mul3A_656 : vector<16xf32>
      %get3A_658 = arith.constant 0 : i32
      %get3A_659 = arith.constant 0 : i32
      %get3A_660 = tpu.memref_slice %arg10[%select_n3A_142, %get3A_658, %get3A_659] : memref<2x128x128xf32, #tpu.memory_space<vmem>> -> memref<1x128x128xf32, #tpu.memory_space<vmem>>
      %get3A_661 = tpu.memref_squeeze %get3A_660 : memref<1x128x128xf32, #tpu.memory_space<vmem>> -> memref<128x128xf32, #tpu.memory_space<vmem>>
      %get3A_662 = arith.index_cast %add3A_543 : i32 to index
      %get3A_663 = arith.constant 96 : index
      %get3A_664 = tpu.vector_load %get3A_661[%get3A_662, %get3A_663] {strides = array<i32>} : memref<128x128xf32, #tpu.memory_space<vmem>>, vector<1x16xf32>,
      %get3A_665 = vector.shape_cast %get3A_664 : vector<1x16xf32> to vector<16xf32>
      %get3A_666 = arith.constant 0 : i32
      %get3A_667 = arith.constant 0 : i32
      %get3A_668 = tpu.memref_slice %arg11[%select_n3A_142, %get3A_666, %get3A_667] : memref<2x128x128xf32, #tpu.memory_space<vmem>> -> memref<1x128x128xf32, #tpu.memory_space<vmem>>
      %get3A_669 = tpu.memref_squeeze %get3A_668 : memref<1x128x128xf32, #tpu.memory_space<vmem>> -> memref<128x128xf32, #tpu.memory_space<vmem>>
      %get3A_670 = arith.index_cast %add3A_543 : i32 to index
      %get3A_671 = arith.constant 96 : index
      %get3A_672 = tpu.vector_load %get3A_669[%get3A_670, %get3A_671] {strides = array<i32>} : memref<128x128xf32, #tpu.memory_space<vmem>>, vector<1x16xf32>,
      %get3A_673 = vector.shape_cast %get3A_672 : vector<1x16xf32> to vector<16xf32>
      %mul3A_674 = arith.mulf %get3A_665, %get3A_673 : vector<16xf32>
      %mul3A_675 = arith.mulf %mul3A_674, %get3A_52 : vector<16xf32>
      %add3A_676 = arith.addf %add3A_657, %mul3A_675 : vector<16xf32>
      %get3A_677 = arith.constant 0 : i32
      %get3A_678 = arith.constant 0 : i32
      %get3A_679 = tpu.memref_slice %arg10[%select_n3A_142, %get3A_677, %get3A_678] : memref<2x128x128xf32, #tpu.memory_space<vmem>> -> memref<1x128x128xf32, #tpu.memory_space<vmem>>
      %get3A_680 = tpu.memref_squeeze %get3A_679 : memref<1x128x128xf32, #tpu.memory_space<vmem>> -> memref<128x128xf32, #tpu.memory_space<vmem>>
      %get3A_681 = arith.index_cast %add3A_543 : i32 to index
      %get3A_682 = arith.constant 112 : index
      %get3A_683 = tpu.vector_load %get3A_680[%get3A_681, %get3A_682] {strides = array<i32>} : memref<128x128xf32, #tpu.memory_space<vmem>>, vector<1x16xf32>,
      %get3A_684 = vector.shape_cast %get3A_683 : vector<1x16xf32> to vector<16xf32>
      %get3A_685 = arith.constant 0 : i32
      %get3A_686 = arith.constant 0 : i32
      %get3A_687 = tpu.memref_slice %arg11[%select_n3A_142, %get3A_685, %get3A_686] : memref<2x128x128xf32, #tpu.memory_space<vmem>> -> memref<1x128x128xf32, #tpu.memory_space<vmem>>
      %get3A_688 = tpu.memref_squeeze %get3A_687 : memref<1x128x128xf32, #tpu.memory_space<vmem>> -> memref<128x128xf32, #tpu.memory_space<vmem>>
      %get3A_689 = arith.index_cast %add3A_543 : i32 to index
      %get3A_690 = arith.constant 112 : index
      %get3A_691 = tpu.vector_load %get3A_688[%get3A_689, %get3A_690] {strides = array<i32>} : memref<128x128xf32, #tpu.memory_space<vmem>>, vector<1x16xf32>,
      %get3A_692 = vector.shape_cast %get3A_691 : vector<1x16xf32> to vector<16xf32>
      %mul3A_693 = arith.mulf %get3A_684, %get3A_692 : vector<16xf32>
      %mul3A_694 = arith.mulf %mul3A_693, %get3A_55 : vector<16xf32>
      %add3A_695 = arith.addf %add3A_676, %mul3A_694 : vector<16xf32>
      %xor3A_696 = arith.constant 8 : i32
      %xor3A_697 = vector.broadcast %xor3A_696 : i32 to vector<16xi32>
      %xor3A_698 = arith.xori %iota3A, %xor3A_697 : vector<16xi32>
      %broadcast_in_dim3A_699 = vector.shape_cast %xor3A_698 : vector<16xi32> to vector<16x1xi32>
      %gather3A_700 = vector.shape_cast %broadcast_in_dim3A_699 : vector<16x1xi32> to vector<16xi32>
      %gather3A_701 = tpu.dynamic_gather %add3A_695[%gather3A_700] in [0] : vector<16xf32>, vector<16xi32> -> vector<16xf32>
      %add3A_702 = arith.addf %add3A_695, %gather3A_701 : vector<16xf32>
      %xor3A_703 = arith.constant 4 : i32
      %xor3A_704 = vector.broadcast %xor3A_703 : i32 to vector<16xi32>
      %xor3A_705 = arith.xori %iota3A, %xor3A_704 : vector<16xi32>
      %broadcast_in_dim3A_706 = vector.shape_cast %xor3A_705 : vector<16xi32> to vector<16x1xi32>
      %gather3A_707 = vector.shape_cast %broadcast_in_dim3A_706 : vector<16x1xi32> to vector<16xi32>
      %gather3A_708 = tpu.dynamic_gather %add3A_702[%gather3A_707] in [0] : vector<16xf32>, vector<16xi32> -> vector<16xf32>
      %add3A_709 = arith.addf %add3A_702, %gather3A_708 : vector<16xf32>
      %xor3A_710 = arith.constant 2 : i32
      %xor3A_711 = vector.broadcast %xor3A_710 : i32 to vector<16xi32>
      %xor3A_712 = arith.xori %iota3A, %xor3A_711 : vector<16xi32>
      %broadcast_in_dim3A_713 = vector.shape_cast %xor3A_712 : vector<16xi32> to vector<16x1xi32>
      %gather3A_714 = vector.shape_cast %broadcast_in_dim3A_713 : vector<16x1xi32> to vector<16xi32>
      %gather3A_715 = tpu.dynamic_gather %add3A_709[%gather3A_714] in [0] : vector<16xf32>, vector<16xi32> -> vector<16xf32>
      %add3A_716 = arith.addf %add3A_709, %gather3A_715 : vector<16xf32>
      %xor3A_717 = arith.constant 1 : i32
      %xor3A_718 = vector.broadcast %xor3A_717 : i32 to vector<16xi32>
      %xor3A_719 = arith.xori %iota3A, %xor3A_718 : vector<16xi32>
      %broadcast_in_dim3A_720 = vector.shape_cast %xor3A_719 : vector<16xi32> to vector<16x1xi32>
      %gather3A_721 = vector.shape_cast %broadcast_in_dim3A_720 : vector<16x1xi32> to vector<16xi32>
      %gather3A_722 = tpu.dynamic_gather %add3A_716[%gather3A_721] in [0] : vector<16xf32>, vector<16xi32> -> vector<16xf32>
      %add3A_723 = arith.addf %add3A_716, %gather3A_722 : vector<16xf32>
      %add3A_724 = arith.constant 2 : i32
      %add3A_725 = arith.addi %mul3A_163, %add3A_724 : i32
      %eq3A_726 = vector.broadcast %add3A_725 : i32 to vector<16xi32>
      %eq3A_727 = arith.cmpi eq, %iota3A, %eq3A_726 : vector<16xi32>
      %select_n3A_728 = arith.select %eq3A_727, %add3A_723, %select_n3A_539 : vector<16xi1>, vector<16xf32>
      %mul3A_729 = arith.constant 4 : i32
      %mul3A_730 = arith.muli %select_n3A_126, %mul3A_729 : i32
      %add3A_731 = arith.constant 3 : i32
      %add3A_732 = arith.addi %mul3A_730, %add3A_731 : i32
      %get3A_733 = arith.constant 0 : i32
      %get3A_734 = arith.constant 0 : i32
      %get3A_735 = tpu.memref_slice %arg10[%select_n3A_142, %get3A_733, %get3A_734] : memref<2x128x128xf32, #tpu.memory_space<vmem>> -> memref<1x128x128xf32, #tpu.memory_space<vmem>>
      %get3A_736 = tpu.memref_squeeze %get3A_735 : memref<1x128x128xf32, #tpu.memory_space<vmem>> -> memref<128x128xf32, #tpu.memory_space<vmem>>
      %get3A_737 = arith.index_cast %add3A_732 : i32 to index
      %get3A_738 = arith.constant 0 : index
      %get3A_739 = tpu.vector_load %get3A_736[%get3A_737, %get3A_738] {strides = array<i32>} : memref<128x128xf32, #tpu.memory_space<vmem>>, vector<1x16xf32>,
      %get3A_740 = vector.shape_cast %get3A_739 : vector<1x16xf32> to vector<16xf32>
      %get3A_741 = arith.constant 0 : i32
      %get3A_742 = arith.constant 0 : i32
      %get3A_743 = tpu.memref_slice %arg11[%select_n3A_142, %get3A_741, %get3A_742] : memref<2x128x128xf32, #tpu.memory_space<vmem>> -> memref<1x128x128xf32, #tpu.memory_space<vmem>>
      %get3A_744 = tpu.memref_squeeze %get3A_743 : memref<1x128x128xf32, #tpu.memory_space<vmem>> -> memref<128x128xf32, #tpu.memory_space<vmem>>
      %get3A_745 = arith.index_cast %add3A_732 : i32 to index
      %get3A_746 = arith.constant 0 : index
      %get3A_747 = tpu.vector_load %get3A_744[%get3A_745, %get3A_746] {strides = array<i32>} : memref<128x128xf32, #tpu.memory_space<vmem>>, vector<1x16xf32>,
      %get3A_748 = vector.shape_cast %get3A_747 : vector<1x16xf32> to vector<16xf32>
      %mul3A_749 = arith.mulf %get3A_740, %get3A_748 : vector<16xf32>
      %mul3A_750 = arith.mulf %mul3A_749, %get3A_34 : vector<16xf32>
      %add3A_751 = arith.addf %broadcast_in_dim3A_15, %mul3A_750 : vector<16xf32>
      %get3A_752 = arith.constant 0 : i32
      %get3A_753 = arith.constant 0 : i32
      %get3A_754 = tpu.memref_slice %arg10[%select_n3A_142, %get3A_752, %get3A_753] : memref<2x128x128xf32, #tpu.memory_space<vmem>> -> memref<1x128x128xf32, #tpu.memory_space<vmem>>
      %get3A_755 = tpu.memref_squeeze %get3A_754 : memref<1x128x128xf32, #tpu.memory_space<vmem>> -> memref<128x128xf32, #tpu.memory_space<vmem>>
      %get3A_756 = arith.index_cast %add3A_732 : i32 to index
      %get3A_757 = arith.constant 16 : index
      %get3A_758 = tpu.vector_load %get3A_755[%get3A_756, %get3A_757] {strides = array<i32>} : memref<128x128xf32, #tpu.memory_space<vmem>>, vector<1x16xf32>,
      %get3A_759 = vector.shape_cast %get3A_758 : vector<1x16xf32> to vector<16xf32>
      %get3A_760 = arith.constant 0 : i32
      %get3A_761 = arith.constant 0 : i32
      %get3A_762 = tpu.memref_slice %arg11[%select_n3A_142, %get3A_760, %get3A_761] : memref<2x128x128xf32, #tpu.memory_space<vmem>> -> memref<1x128x128xf32, #tpu.memory_space<vmem>>
      %get3A_763 = tpu.memref_squeeze %get3A_762 : memref<1x128x128xf32, #tpu.memory_space<vmem>> -> memref<128x128xf32, #tpu.memory_space<vmem>>
      %get3A_764 = arith.index_cast %add3A_732 : i32 to index
      %get3A_765 = arith.constant 16 : index
      %get3A_766 = tpu.vector_load %get3A_763[%get3A_764, %get3A_765] {strides = array<i32>} : memref<128x128xf32, #tpu.memory_space<vmem>>, vector<1x16xf32>,
      %get3A_767 = vector.shape_cast %get3A_766 : vector<1x16xf32> to vector<16xf32>
      %mul3A_768 = arith.mulf %get3A_759, %get3A_767 : vector<16xf32>
      %mul3A_769 = arith.mulf %mul3A_768, %get3A_37 : vector<16xf32>
      %add3A_770 = arith.addf %add3A_751, %mul3A_769 : vector<16xf32>
      %get3A_771 = arith.constant 0 : i32
      %get3A_772 = arith.constant 0 : i32
      %get3A_773 = tpu.memref_slice %arg10[%select_n3A_142, %get3A_771, %get3A_772] : memref<2x128x128xf32, #tpu.memory_space<vmem>> -> memref<1x128x128xf32, #tpu.memory_space<vmem>>
      %get3A_774 = tpu.memref_squeeze %get3A_773 : memref<1x128x128xf32, #tpu.memory_space<vmem>> -> memref<128x128xf32, #tpu.memory_space<vmem>>
      %get3A_775 = arith.index_cast %add3A_732 : i32 to index
      %get3A_776 = arith.constant 32 : index
      %get3A_777 = tpu.vector_load %get3A_774[%get3A_775, %get3A_776] {strides = array<i32>} : memref<128x128xf32, #tpu.memory_space<vmem>>, vector<1x16xf32>,
      %get3A_778 = vector.shape_cast %get3A_777 : vector<1x16xf32> to vector<16xf32>
      %get3A_779 = arith.constant 0 : i32
      %get3A_780 = arith.constant 0 : i32
      %get3A_781 = tpu.memref_slice %arg11[%select_n3A_142, %get3A_779, %get3A_780] : memref<2x128x128xf32, #tpu.memory_space<vmem>> -> memref<1x128x128xf32, #tpu.memory_space<vmem>>
      %get3A_782 = tpu.memref_squeeze %get3A_781 : memref<1x128x128xf32, #tpu.memory_space<vmem>> -> memref<128x128xf32, #tpu.memory_space<vmem>>
      %get3A_783 = arith.index_cast %add3A_732 : i32 to index
      %get3A_784 = arith.constant 32 : index
      %get3A_785 = tpu.vector_load %get3A_782[%get3A_783, %get3A_784] {strides = array<i32>} : memref<128x128xf32, #tpu.memory_space<vmem>>, vector<1x16xf32>,
      %get3A_786 = vector.shape_cast %get3A_785 : vector<1x16xf32> to vector<16xf32>
      %mul3A_787 = arith.mulf %get3A_778, %get3A_786 : vector<16xf32>
      %mul3A_788 = arith.mulf %mul3A_787, %get3A_40 : vector<16xf32>
      %add3A_789 = arith.addf %add3A_770, %mul3A_788 : vector<16xf32>
      %get3A_790 = arith.constant 0 : i32
      %get3A_791 = arith.constant 0 : i32
      %get3A_792 = tpu.memref_slice %arg10[%select_n3A_142, %get3A_790, %get3A_791] : memref<2x128x128xf32, #tpu.memory_space<vmem>> -> memref<1x128x128xf32, #tpu.memory_space<vmem>>
      %get3A_793 = tpu.memref_squeeze %get3A_792 : memref<1x128x128xf32, #tpu.memory_space<vmem>> -> memref<128x128xf32, #tpu.memory_space<vmem>>
      %get3A_794 = arith.index_cast %add3A_732 : i32 to index
      %get3A_795 = arith.constant 48 : index
      %get3A_796 = tpu.vector_load %get3A_793[%get3A_794, %get3A_795] {strides = array<i32>} : memref<128x128xf32, #tpu.memory_space<vmem>>, vector<1x16xf32>,
      %get3A_797 = vector.shape_cast %get3A_796 : vector<1x16xf32> to vector<16xf32>
      %get3A_798 = arith.constant 0 : i32
      %get3A_799 = arith.constant 0 : i32
      %get3A_800 = tpu.memref_slice %arg11[%select_n3A_142, %get3A_798, %get3A_799] : memref<2x128x128xf32, #tpu.memory_space<vmem>> -> memref<1x128x128xf32, #tpu.memory_space<vmem>>
      %get3A_801 = tpu.memref_squeeze %get3A_800 : memref<1x128x128xf32, #tpu.memory_space<vmem>> -> memref<128x128xf32, #tpu.memory_space<vmem>>
      %get3A_802 = arith.index_cast %add3A_732 : i32 to index
      %get3A_803 = arith.constant 48 : index
      %get3A_804 = tpu.vector_load %get3A_801[%get3A_802, %get3A_803] {strides = array<i32>} : memref<128x128xf32, #tpu.memory_space<vmem>>, vector<1x16xf32>,
      %get3A_805 = vector.shape_cast %get3A_804 : vector<1x16xf32> to vector<16xf32>
      %mul3A_806 = arith.mulf %get3A_797, %get3A_805 : vector<16xf32>
      %mul3A_807 = arith.mulf %mul3A_806, %get3A_43 : vector<16xf32>
      %add3A_808 = arith.addf %add3A_789, %mul3A_807 : vector<16xf32>
      %get3A_809 = arith.constant 0 : i32
      %get3A_810 = arith.constant 0 : i32
      %get3A_811 = tpu.memref_slice %arg10[%select_n3A_142, %get3A_809, %get3A_810] : memref<2x128x128xf32, #tpu.memory_space<vmem>> -> memref<1x128x128xf32, #tpu.memory_space<vmem>>
      %get3A_812 = tpu.memref_squeeze %get3A_811 : memref<1x128x128xf32, #tpu.memory_space<vmem>> -> memref<128x128xf32, #tpu.memory_space<vmem>>
      %get3A_813 = arith.index_cast %add3A_732 : i32 to index
      %get3A_814 = arith.constant 64 : index
      %get3A_815 = tpu.vector_load %get3A_812[%get3A_813, %get3A_814] {strides = array<i32>} : memref<128x128xf32, #tpu.memory_space<vmem>>, vector<1x16xf32>,
      %get3A_816 = vector.shape_cast %get3A_815 : vector<1x16xf32> to vector<16xf32>
      %get3A_817 = arith.constant 0 : i32
      %get3A_818 = arith.constant 0 : i32
      %get3A_819 = tpu.memref_slice %arg11[%select_n3A_142, %get3A_817, %get3A_818] : memref<2x128x128xf32, #tpu.memory_space<vmem>> -> memref<1x128x128xf32, #tpu.memory_space<vmem>>
      %get3A_820 = tpu.memref_squeeze %get3A_819 : memref<1x128x128xf32, #tpu.memory_space<vmem>> -> memref<128x128xf32, #tpu.memory_space<vmem>>
      %get3A_821 = arith.index_cast %add3A_732 : i32 to index
      %get3A_822 = arith.constant 64 : index
      %get3A_823 = tpu.vector_load %get3A_820[%get3A_821, %get3A_822] {strides = array<i32>} : memref<128x128xf32, #tpu.memory_space<vmem>>, vector<1x16xf32>,
      %get3A_824 = vector.shape_cast %get3A_823 : vector<1x16xf32> to vector<16xf32>
      %mul3A_825 = arith.mulf %get3A_816, %get3A_824 : vector<16xf32>
      %mul3A_826 = arith.mulf %mul3A_825, %get3A_46 : vector<16xf32>
      %add3A_827 = arith.addf %add3A_808, %mul3A_826 : vector<16xf32>
      %get3A_828 = arith.constant 0 : i32
      %get3A_829 = arith.constant 0 : i32
      %get3A_830 = tpu.memref_slice %arg10[%select_n3A_142, %get3A_828, %get3A_829] : memref<2x128x128xf32, #tpu.memory_space<vmem>> -> memref<1x128x128xf32, #tpu.memory_space<vmem>>
      %get3A_831 = tpu.memref_squeeze %get3A_830 : memref<1x128x128xf32, #tpu.memory_space<vmem>> -> memref<128x128xf32, #tpu.memory_space<vmem>>
      %get3A_832 = arith.index_cast %add3A_732 : i32 to index
      %get3A_833 = arith.constant 80 : index
      %get3A_834 = tpu.vector_load %get3A_831[%get3A_832, %get3A_833] {strides = array<i32>} : memref<128x128xf32, #tpu.memory_space<vmem>>, vector<1x16xf32>,
      %get3A_835 = vector.shape_cast %get3A_834 : vector<1x16xf32> to vector<16xf32>
      %get3A_836 = arith.constant 0 : i32
      %get3A_837 = arith.constant 0 : i32
      %get3A_838 = tpu.memref_slice %arg11[%select_n3A_142, %get3A_836, %get3A_837] : memref<2x128x128xf32, #tpu.memory_space<vmem>> -> memref<1x128x128xf32, #tpu.memory_space<vmem>>
      %get3A_839 = tpu.memref_squeeze %get3A_838 : memref<1x128x128xf32, #tpu.memory_space<vmem>> -> memref<128x128xf32, #tpu.memory_space<vmem>>
      %get3A_840 = arith.index_cast %add3A_732 : i32 to index
      %get3A_841 = arith.constant 80 : index
      %get3A_842 = tpu.vector_load %get3A_839[%get3A_840, %get3A_841] {strides = array<i32>} : memref<128x128xf32, #tpu.memory_space<vmem>>, vector<1x16xf32>,
      %get3A_843 = vector.shape_cast %get3A_842 : vector<1x16xf32> to vector<16xf32>
      %mul3A_844 = arith.mulf %get3A_835, %get3A_843 : vector<16xf32>
      %mul3A_845 = arith.mulf %mul3A_844, %get3A_49 : vector<16xf32>
      %add3A_846 = arith.addf %add3A_827, %mul3A_845 : vector<16xf32>
      %get3A_847 = arith.constant 0 : i32
      %get3A_848 = arith.constant 0 : i32
      %get3A_849 = tpu.memref_slice %arg10[%select_n3A_142, %get3A_847, %get3A_848] : memref<2x128x128xf32, #tpu.memory_space<vmem>> -> memref<1x128x128xf32, #tpu.memory_space<vmem>>
      %get3A_850 = tpu.memref_squeeze %get3A_849 : memref<1x128x128xf32, #tpu.memory_space<vmem>> -> memref<128x128xf32, #tpu.memory_space<vmem>>
      %get3A_851 = arith.index_cast %add3A_732 : i32 to index
      %get3A_852 = arith.constant 96 : index
      %get3A_853 = tpu.vector_load %get3A_850[%get3A_851, %get3A_852] {strides = array<i32>} : memref<128x128xf32, #tpu.memory_space<vmem>>, vector<1x16xf32>,
      %get3A_854 = vector.shape_cast %get3A_853 : vector<1x16xf32> to vector<16xf32>
      %get3A_855 = arith.constant 0 : i32
      %get3A_856 = arith.constant 0 : i32
      %get3A_857 = tpu.memref_slice %arg11[%select_n3A_142, %get3A_855, %get3A_856] : memref<2x128x128xf32, #tpu.memory_space<vmem>> -> memref<1x128x128xf32, #tpu.memory_space<vmem>>
      %get3A_858 = tpu.memref_squeeze %get3A_857 : memref<1x128x128xf32, #tpu.memory_space<vmem>> -> memref<128x128xf32, #tpu.memory_space<vmem>>
      %get3A_859 = arith.index_cast %add3A_732 : i32 to index
      %get3A_860 = arith.constant 96 : index
      %get3A_861 = tpu.vector_load %get3A_858[%get3A_859, %get3A_860] {strides = array<i32>} : memref<128x128xf32, #tpu.memory_space<vmem>>, vector<1x16xf32>,
      %get3A_862 = vector.shape_cast %get3A_861 : vector<1x16xf32> to vector<16xf32>
      %mul3A_863 = arith.mulf %get3A_854, %get3A_862 : vector<16xf32>
      %mul3A_864 = arith.mulf %mul3A_863, %get3A_52 : vector<16xf32>
      %add3A_865 = arith.addf %add3A_846, %mul3A_864 : vector<16xf32>
      %get3A_866 = arith.constant 0 : i32
      %get3A_867 = arith.constant 0 : i32
      %get3A_868 = tpu.memref_slice %arg10[%select_n3A_142, %get3A_866, %get3A_867] : memref<2x128x128xf32, #tpu.memory_space<vmem>> -> memref<1x128x128xf32, #tpu.memory_space<vmem>>
      %get3A_869 = tpu.memref_squeeze %get3A_868 : memref<1x128x128xf32, #tpu.memory_space<vmem>> -> memref<128x128xf32, #tpu.memory_space<vmem>>
      %get3A_870 = arith.index_cast %add3A_732 : i32 to index
      %get3A_871 = arith.constant 112 : index
      %get3A_872 = tpu.vector_load %get3A_869[%get3A_870, %get3A_871] {strides = array<i32>} : memref<128x128xf32, #tpu.memory_space<vmem>>, vector<1x16xf32>,
      %get3A_873 = vector.shape_cast %get3A_872 : vector<1x16xf32> to vector<16xf32>
      %get3A_874 = arith.constant 0 : i32
      %get3A_875 = arith.constant 0 : i32
      %get3A_876 = tpu.memref_slice %arg11[%select_n3A_142, %get3A_874, %get3A_875] : memref<2x128x128xf32, #tpu.memory_space<vmem>> -> memref<1x128x128xf32, #tpu.memory_space<vmem>>
      %get3A_877 = tpu.memref_squeeze %get3A_876 : memref<1x128x128xf32, #tpu.memory_space<vmem>> -> memref<128x128xf32, #tpu.memory_space<vmem>>
      %get3A_878 = arith.index_cast %add3A_732 : i32 to index
      %get3A_879 = arith.constant 112 : index
      %get3A_880 = tpu.vector_load %get3A_877[%get3A_878, %get3A_879] {strides = array<i32>} : memref<128x128xf32, #tpu.memory_space<vmem>>, vector<1x16xf32>,
      %get3A_881 = vector.shape_cast %get3A_880 : vector<1x16xf32> to vector<16xf32>
      %mul3A_882 = arith.mulf %get3A_873, %get3A_881 : vector<16xf32>
      %mul3A_883 = arith.mulf %mul3A_882, %get3A_55 : vector<16xf32>
      %add3A_884 = arith.addf %add3A_865, %mul3A_883 : vector<16xf32>
      %xor3A_885 = arith.constant 8 : i32
      %xor3A_886 = vector.broadcast %xor3A_885 : i32 to vector<16xi32>
      %xor3A_887 = arith.xori %iota3A, %xor3A_886 : vector<16xi32>
      %broadcast_in_dim3A_888 = vector.shape_cast %xor3A_887 : vector<16xi32> to vector<16x1xi32>
      %gather3A_889 = vector.shape_cast %broadcast_in_dim3A_888 : vector<16x1xi32> to vector<16xi32>
      %gather3A_890 = tpu.dynamic_gather %add3A_884[%gather3A_889] in [0] : vector<16xf32>, vector<16xi32> -> vector<16xf32>
      %add3A_891 = arith.addf %add3A_884, %gather3A_890 : vector<16xf32>
      %xor3A_892 = arith.constant 4 : i32
      %xor3A_893 = vector.broadcast %xor3A_892 : i32 to vector<16xi32>
      %xor3A_894 = arith.xori %iota3A, %xor3A_893 : vector<16xi32>
      %broadcast_in_dim3A_895 = vector.shape_cast %xor3A_894 : vector<16xi32> to vector<16x1xi32>
      %gather3A_896 = vector.shape_cast %broadcast_in_dim3A_895 : vector<16x1xi32> to vector<16xi32>
      %gather3A_897 = tpu.dynamic_gather %add3A_891[%gather3A_896] in [0] : vector<16xf32>, vector<16xi32> -> vector<16xf32>
      %add3A_898 = arith.addf %add3A_891, %gather3A_897 : vector<16xf32>
      %xor3A_899 = arith.constant 2 : i32
      %xor3A_900 = vector.broadcast %xor3A_899 : i32 to vector<16xi32>
      %xor3A_901 = arith.xori %iota3A, %xor3A_900 : vector<16xi32>
      %broadcast_in_dim3A_902 = vector.shape_cast %xor3A_901 : vector<16xi32> to vector<16x1xi32>
      %gather3A_903 = vector.shape_cast %broadcast_in_dim3A_902 : vector<16x1xi32> to vector<16xi32>
      %gather3A_904 = tpu.dynamic_gather %add3A_898[%gather3A_903] in [0] : vector<16xf32>, vector<16xi32> -> vector<16xf32>
      %add3A_905 = arith.addf %add3A_898, %gather3A_904 : vector<16xf32>
      %xor3A_906 = arith.constant 1 : i32
      %xor3A_907 = vector.broadcast %xor3A_906 : i32 to vector<16xi32>
      %xor3A_908 = arith.xori %iota3A, %xor3A_907 : vector<16xi32>
      %broadcast_in_dim3A_909 = vector.shape_cast %xor3A_908 : vector<16xi32> to vector<16x1xi32>
      %gather3A_910 = vector.shape_cast %broadcast_in_dim3A_909 : vector<16x1xi32> to vector<16xi32>
      %gather3A_911 = tpu.dynamic_gather %add3A_905[%gather3A_910] in [0] : vector<16xf32>, vector<16xi32> -> vector<16xf32>
      %add3A_912 = arith.addf %add3A_905, %gather3A_911 : vector<16xf32>
      %add3A_913 = arith.constant 3 : i32
      %add3A_914 = arith.addi %mul3A_163, %add3A_913 : i32
      %eq3A_915 = vector.broadcast %add3A_914 : i32 to vector<16xi32>
      %eq3A_916 = arith.cmpi eq, %iota3A, %eq3A_915 : vector<16xi32>
      %select_n3A_917 = arith.select %eq3A_916, %add3A_912, %select_n3A_728 : vector<16xi1>, vector<16xf32>
      %mul3A_918 = arith.constant 128 : i32
      %mul3A_919 = arith.muli %select_n3A, %mul3A_918 : i32
      %jit3A_920 = arith.constant 4 : i32
      %div3A_921 = arith.divsi %select_n3A_126, %jit3A_920 : i32
      %sign3A_922 = arith.constant 0 : i32
      %sign3A_923 = arith.cmpi sgt, %select_n3A_126, %sign3A_922 : i32
      %sign3A_924 = arith.extui %sign3A_923 : i1 to i32
      %sign3A_925 = arith.constant 0 : i32
      %sign3A_926 = arith.cmpi slt, %select_n3A_126, %sign3A_925 : i32
      %sign3A_927 = arith.extui %sign3A_926 : i1 to i32
      %sign3A_928 = arith.subi %sign3A_924, %sign3A_927 : i32
      %sign3A_929 = arith.constant 0 : i32
      %sign3A_930 = arith.cmpi sgt, %jit3A_920, %sign3A_929 : i32
      %sign3A_931 = arith.extui %sign3A_930 : i1 to i32
      %sign3A_932 = arith.constant 0 : i32
      %sign3A_933 = arith.cmpi slt, %jit3A_920, %sign3A_932 : i32
      %sign3A_934 = arith.extui %sign3A_933 : i1 to i32
      %sign3A_935 = arith.subi %sign3A_931, %sign3A_934 : i32
      %ne3A_936 = arith.cmpi ne, %sign3A_928, %sign3A_935 : i32
      %rem3A_937 = arith.remsi %select_n3A_126, %jit3A_920 : i32
      %ne3A_938 = arith.constant 0 : i32
      %ne3A_939 = arith.cmpi ne, %rem3A_937, %ne3A_938 : i32
      %and3A_940 = arith.andi %ne3A_936, %ne3A_939 : i1
      %sub3A_941 = arith.constant 1 : i32
      %sub3A_942 = arith.subi %div3A_921, %sub3A_941 : i32
      %select_n3A_943 = arith.select %and3A_940, %sub3A_942, %div3A_921 : i32
      %mul3A_944 = arith.constant 16 : i32
      %mul3A_945 = arith.muli %select_n3A_943, %mul3A_944 : i32
      %add3A_946 = arith.addi %mul3A_919, %mul3A_945 : i32
      %get3A_947 = arith.index_cast %add3A_946 : i32 to index
      %get3A_948 = tpu.vector_load %arg13[%get3A_947] {strides = array<i32>} : memref<512xf32, #tpu.memory_space<vmem>>, vector<16xf32>,
      %get3A_949 = vector.shape_cast %get3A_948 : vector<16xf32> to vector<16xf32>
      %add3A_950 = arith.addf %get3A_949, %select_n3A_917 : vector<16xf32>
      %swap3A = arith.index_cast %add3A_946 : i32 to index
      %swap3A_951 = tpu.vector_load %arg13[%swap3A] {strides = array<i32>} : memref<512xf32, #tpu.memory_space<vmem>>, vector<16xf32>,
      %swap3A_952 = vector.shape_cast %swap3A_951 : vector<16xf32> to vector<16xf32>
      %swap3A_953 = vector.shape_cast %add3A_950 : vector<16xf32> to vector<16xf32>
      tpu.vector_store %arg13[%swap3A], %swap3A_953 {strides = array<i32>} : memref<512xf32, #tpu.memory_space<vmem>>, vector<16xf32>,
    }
    %scan3A_89 = arith.constant 128 : i32
    %scan3A_90 = arith.constant 0 : i32
    %scan3A_91 = arith.constant 0 : i32
    %scan3A_92 = arith.constant 32 : i32
    %scan3A_93 = arith.addi %scan3A_91, %scan3A_92 : i32
    %scan3A_94 = arith.constant 1 : i32
    scf.for %scan3A_96 = %scan3A_91 to %scan3A_93 step %scan3A_94  : i32 {
      %mul3A_97 = arith.constant 16 : i32
      %mul3A_98 = arith.muli %scan3A_96, %mul3A_97 : i32
      %get3A_99 = arith.index_cast %mul3A_98 : i32 to index
      %get3A_100 = tpu.vector_load %arg13[%get3A_99] {strides = array<i32>} : memref<512xf32, #tpu.memory_space<vmem>>, vector<16xf32>,
      %get3A_101 = vector.shape_cast %get3A_100 : vector<16xf32> to vector<16xf32>
      %neg3A = arith.constant 0.000000e+00 : f32
      %neg3A_102 = vector.broadcast %neg3A : f32 to vector<16xf32>
      %neg3A_103 = arith.subf %neg3A_102, %get3A_101 : vector<16xf32>
      %exp3A = math.exp %neg3A_103 : vector<16xf32>
      %add3A_104 = arith.constant 1.000000e+00 : f32
      %add3A_105 = vector.broadcast %add3A_104 : f32 to vector<16xf32>
      %add3A_106 = arith.addf %add3A_105, %exp3A : vector<16xf32>
      %div3A = arith.constant 1.000000e+00 : f32
      %div3A_107 = vector.broadcast %div3A : f32 to vector<16xf32>
      %div3A_108 = arith.divf %div3A_107, %add3A_106 : vector<16xf32>
      %mul3A_109 = arith.constant 16 : i32
      %mul3A_110 = arith.muli %scan3A_96, %mul3A_109 : i32
      %swap3A = arith.index_cast %mul3A_110 : i32 to index
      %swap3A_111 = tpu.vector_load %arg14[%swap3A] {strides = array<i32>} : memref<512xf32, #tpu.memory_space<vmem>>, vector<16xf32>,
      %swap3A_112 = vector.shape_cast %swap3A_111 : vector<16xf32> to vector<16xf32>
      %swap3A_113 = vector.shape_cast %div3A_108 : vector<16xf32> to vector<16xf32>
      tpu.vector_store %arg14[%swap3A], %swap3A_113 {strides = array<i32>} : memref<512xf32, #tpu.memory_space<vmem>>, vector<16xf32>,
    }
    %scan3A_95 = arith.constant 32 : i32
    "tpu.region"() ({
      %run_scoped3A = tpu.sem_alloc : memref<!tpu.dma_semaphore, #tpu.memory_space<semaphore_mem>>
      %dma_start3A_96 = tpu.memref_slice %arg7[%mul3A_2] : memref<16384xf32, #tpu.memory_space<hbm>> -> memref<512xf32, #tpu.memory_space<hbm>>
      %dma_start3A_97 = tpu.memref_slice %arg7[%mul3A_2] : memref<16384xf32, #tpu.memory_space<hbm>> -> memref<512xf32, #tpu.memory_space<hbm>>
      tpu.enqueue_dma source(%arg14 : memref<512xf32, #tpu.memory_space<vmem>>) target(%dma_start3A_97 : memref<512xf32, #tpu.memory_space<hbm>>) target_semaphore(%run_scoped3A : memref<!tpu.dma_semaphore, #tpu.memory_space<semaphore_mem>>)
      %dma_wait3A_98 = tpu.memref_slice %arg7[%mul3A_2] : memref<16384xf32, #tpu.memory_space<hbm>> -> memref<512xf32, #tpu.memory_space<hbm>>
      %dma_wait3A_99 = tpu.memref_slice %arg7[%mul3A_2] : memref<16384xf32, #tpu.memory_space<hbm>> -> memref<512xf32, #tpu.memory_space<hbm>>
      tpu.wait_dma2 semaphore(%run_scoped3A : memref<!tpu.dma_semaphore, #tpu.memory_space<semaphore_mem>>) src(%arg14 : memref<512xf32, #tpu.memory_space<vmem>>) dst(%dma_wait3A_99 : memref<512xf32, #tpu.memory_space<hbm>>)
      tpu.yield
    }) : () -> ()
    return
  }
}

</mosaic_0001>

<sc_bundles>
// kernel: kernel.3.cloned.1.call-start
scs
__scs_entry_jumppad:
0x0: {  	(pc) =	sbr.rel $0x88, $3  }
0x1: {  	(tag) =	ssettag $0x0;
	lr =	simm.s32 $0x1  }
0x2: {  	[smem:$0x3F9C] =	sst lr;
	_ =	strace $0xD0000000  }
0x3: {  	_ = 	snop  }
0x4: {  	_ = 	snop  }
0x5: {  	_ = 	snop  }
0x6: {  	_ = 	snop  }
0x7: {  	_ = 	snop  }
__scs_overlays_trampoline_lowered:
0x8: {  	[smem:$0x3FAB] =	sst s0  }
0x9: {  	[smem:$0x3FAC] =	sst s1  }
0xa: {  	[smem:$0x3FAD] =	sst s2  }
0xb: {  	[smem:$0x3FAE] =	sst s3  }
0xc: {  	[smem:$0x3FAF] =	sst s4  }
0xd: {  	[smem:$0x3FB0] =	sst s5  }
0xe: {  	[smem:$0x3FB1] =	sst s6  }
0xf: {  	[smem:$0x3FB2] =	sst s7  }
0x10: {  	[smem:$0x3FB3] =	sst s8  }
0x11: {  	[smem:$0x3FB4] =	sst s9;
	s0 =	simm.s32 @!p0 $0x0  }
0x12: {  	s1 =	sld [smem:$0x3F9A];
	s0 =	simm.s32 @p0 $0x1  }
0x13: {  	[smem:$0x3FB5] =	sst s0;
	s0 =	simm.s32 @!p1 $0x0  }
0x14: {  	s2 =	sld [smem:$0x3F99];
	s0 =	simm.s32 @p1 $0x1  }
0x15: {  	[smem:$0x3FB6] =	sst s0;
	s0 =	simm.s32 @!p2 $0x0  }
0x16: {  	s3 =	sld [smem:$0x3FDB];
	s0 =	simm.s32 @p2 $0x1  }
0x17: {  	s4 =	simm.s32 $0x1BF5;
	[smem:$0x3FB8] =	sst s0  }
0x18: {  	s0 =	sld [smem:$0x3F9B];
	_ =	swait.ge [sflag:s4], $0x0  }
0x19: {  	s7 =	sld [smem:$0x3F9C]  }
0x1a: {  	s8 =	sadd.s32 $0xFFFFE003, lr  }
0x1b: {  	s9 =	sadd.s32 $0xFFFFFEF7, lr;
	s5 =	simm.s32 $0xFFFFFFFF;
	p2 =	slt.u32 s8, $0xFFFFF086  }
0x1c: {  	p1 =	slt.u32 s9, $0xF7A;
	s5 =	simm.s32 @!p2 $0x0  }
0x1d: {  	s5 =	simm.s32 @p1 $0x1;
	p0 =	seq.s32 s7, s2  }
0x1e: {  	s7 =	smul.u32 @!p0 $0xF7A, s2;
	p2 =	seq.s32 @!p0 s5, $0x0  }
0x1f: {  	s9 =	smul.u32 $0xF7A, s1;
	s8 =	simm.s32 @!p0 $0x1BF5;
	p2 =	por !p2, p0  }
0x20: {  	[sflag:s8] =	ssyncset.s32 @!p0 $0xFFFFF086;
	s6 =	sadd.s32 @!p0 s3, s7;
	s7 =	simm.s32 @!p0 $0x108  }
0x21: {  	s3 =	sadd.s32 s3, s9;
	s6 =	sadd.s32 @!p0 $0x88, s6;
	s7 =	simm.s32 @p2 $0x1082  }
0x22: {  	[simem:s7], [sflag:s8] =	dma.local @!p0 [hbm:s6], $0xF7A  }
0x23: {  	s9 =	sor.u32 $0xD0000000, s2;
	s6 =	simm.s32 $0x108;
	_ =	swait.ge @!p0 [sflag:s8], $0x0  }
0x24: {  	s3 =	sadd.s32 $0x88, s3;
	s6 =	simm.s32 @!p1 $0x1082;
	[sflag:s4] =	ssyncset.s32 $0xFFFFF086  }
0x25: {  	[simem:s6], [sflag:s4] =	dma.local [hbm:s3], $0xF7A  }
0x26: {  	[smem:$0x3F9C] =	sst s1;
	(tag) =	ssettag s2;
	_ =	strace s9  }
0x27: {  	s1 =	sld [smem:$0x3FAC]  }
0x28: {  	s2 =	sld [smem:$0x3FAD]  }
0x29: {  	s4 =	sld [smem:$0x3FAF]  }
0x2a: {  	p0 =	seq.s32 s5, $0x0;
	s5 =	sld [smem:$0x3FB0]  }
0x2b: {  	s6 =	sld [smem:$0x3FB1]  }
0x2c: {  	s7 =	sld [smem:$0x3FB2]  }
0x2d: {  	s3 =	simm.s32 $0x108;
	s8 =	sld [smem:$0x3FB3]  }
0x2e: {  	s3 =	simm.s32 @!p0 $0x1082;
	s9 =	sld [smem:$0x3FB4]  }
0x2f: {  	lr =	sadd.s32 s0, s3;
	s0 =	sld [smem:$0x3FAB]  }
0x30: {  	s3 =	sld [smem:$0x3FAE]  }
0x31: {  	[smem:$0x3FB7] =	sst s10  }
0x32: {  	s10 =	sld [smem:$0x3FB5];
	_ =	sdelay $0x3  }
0x33: {  	p0 =	seq.s32 s10, $0x1;
	s10 =	sld [smem:$0x3FB7];
	_ =	sdelay $0x3  }
0x34: {  	[smem:$0x3FB7] =	sst s10  }
0x35: {  	s10 =	sld [smem:$0x3FB6];
	_ =	sdelay $0x3  }
0x36: {  	p1 =	seq.s32 s10, $0x1;
	s10 =	sld [smem:$0x3FB7];
	_ =	sdelay $0x3  }
0x37: {  	[smem:$0x3FB7] =	sst s10  }
0x38: {  	s10 =	sld [smem:$0x3FB8]  }
0x39: {  	_ = 	snop;
	(pc) =	sbr.ind lr, $3  }
0x3a: {  	_ = 	snop  }
0x3b: {  	_ = 	snop  }
0x3c: {  	p2 =	seq.s32 s10, $0x1;
	s10 =	sld [smem:$0x3FB7]  }
0x3d: {  	_ =	shalt  }
0x3e: {  	_ =	shalt  }
0x3f: {  	_ =	shalt  }
0x40: {  	_ =	shalt  }
0x41: {  	_ =	shalt  }
0x42: {  	_ =	shalt  }
0x43: {  	_ =	shalt  }
0x44: {  	_ =	shalt  }
0x45: {  	_ =	shalt  }
0x46: {  	_ =	shalt  }
0x47: {  	_ =	shalt  }
0x48: {  	_ =	shalt  }
0x49: {  	_ =	shalt  }
0x4a: {  	_ =	shalt  }
0x4b: {  	_ =	shalt  }
0x4c: {  	_ =	shalt  }
0x4d: {  	_ =	shalt  }
0x4e: {  	_ =	shalt  }
0x4f: {  	_ =	shalt  }
0x50: {  	_ =	shalt  }
0x51: {  	_ =	shalt  }
0x52: {  	_ =	shalt  }
0x53: {  	_ =	shalt  }
0x54: {  	_ =	shalt  }
0x55: {  	_ =	shalt  }
0x56: {  	_ =	shalt  }
0x57: {  	_ =	shalt  }
0x58: {  	_ =	shalt  }
0x59: {  	_ =	shalt  }
0x5a: {  	_ =	shalt  }
0x5b: {  	_ =	shalt  }
0x5c: {  	_ =	shalt  }
0x5d: {  	_ =	shalt  }
0x5e: {  	_ =	shalt  }
0x5f: {  	_ =	shalt  }
0x60: {  	_ =	shalt  }
0x61: {  	_ =	shalt  }
0x62: {  	_ =	shalt  }
0x63: {  	_ =	shalt  }
0x64: {  	_ =	shalt  }
0x65: {  	_ =	shalt  }
0x66: {  	_ =	shalt  }
0x67: {  	_ =	shalt  }
0x68: {  	_ =	shalt  }
0x69: {  	_ =	shalt  }
0x6a: {  	_ =	shalt  }
0x6b: {  	_ =	shalt  }
0x6c: {  	_ =	shalt  }
0x6d: {  	_ =	shalt  }
0x6e: {  	_ =	shalt  }
0x6f: {  	_ =	shalt  }
0x70: {  	_ =	shalt  }
0x71: {  	_ =	shalt  }
0x72: {  	_ =	shalt  }
0x73: {  	_ =	shalt  }
0x74: {  	_ =	shalt  }
0x75: {  	_ =	shalt  }
0x76: {  	_ =	shalt  }
0x77: {  	_ =	shalt  }
0x78: {  	_ =	shalt  }
0x79: {  	_ =	shalt  }
0x7a: {  	_ =	shalt  }
0x7b: {  	_ =	shalt  }
0x7c: {  	_ =	shalt  }
0x7d: {  	_ =	shalt  }
0x7e: {  	_ =	shalt  }
0x7f: {  	_ =	shalt  }
0x80: {  	_ =	shalt  }
0x81: {  	_ =	shalt  }
0x82: {  	_ =	shalt  }
0x83: {  	_ =	shalt  }
0x84: {  	_ =	shalt  }
0x85: {  	_ =	shalt  }
0x86: {  	_ =	shalt  }
0x87: {  	_ =	shalt  }
.Lfunc_end0:
.L_simem_size_0:
called_computation_lowered:
.L_overlay_start_0:
0x88: {  	s2 =	sld [smem:$0x3FD9]  }
0x89: {  	s3 =	sld [smem:$0x3FFE];
	_ =	sdelay $0x1  }
0x8a: {  	s1 =	srdreg.scid  }
0x8b: {  	s0 =	sand.u32 $0x1, s1  }
0x8c: {  	s18 =	sshll.u32 s0, $0xA;
	s2 =	sadd.s32 s3, s2  }
0x8d: {  	s2 =	sadd.s32 s2, s18  }
0x8e: {  	[smem:$0x3FC3] =	sst s2  }
0x8f: {  	_ = 	snop  }
0x90: {  	s2 =	sld [smem:$0x3FC9]  }
0x91: {  	s19 =	sld [smem:$0x3FC8]  }
0x92: {  	s4 =	sld [smem:$0x3FC7]  }
0x93: {  	s5 =	sld [smem:$0x3FC6]  }
0x94: {  	s6 =	sld [smem:$0x3FC5]  }
0x95: {  	s7 =	sld [smem:$0x3FD0];
	(tm) =	ssettm $0x1  }
0x96: {  	s8 =	sld [smem:$0x3FFB];
	_ =	sdelay $0x3  }
0x97: {  	_ =	strace s8  }
0x98: {  	s8 =	sld [smem:$0x3FFC];
	_ =	sdelay $0x3  }
0x99: {  	_ =	strace s8  }
0x9a: {  	s8 =	sld [smem:$0x3FFD];
	_ =	sdelay $0x3  }
0x9b: {  	_ =	strace s8  }
0x9c: {  	_ =	strace $0x8FFFFFFF  }
0x9d: {  	s20 =	sld [smem:$0x3FDB];
	_ =	sdelay $0x1  }
0x9e: {  	s9 =	simm.s32 $_scs_section_size  }
0x9f: {  	s10 =	simm.s32 $_size__tile_overlayer_lowered;
	s11 =	simm.s32 $_tile_overlayer_lowered  }
0xa0: {  	s23 =	simm.s32 $0x1BFF;
	s22 =	sshll.u32 s11, $0x1;
	s8 =	sadd.s32 s9, s20  }
0xa1: {  	s12 =	simm.s32 $0x0;
	s21 =	sshll.u32 s10, $0x1;
	s10 =	sadd.s32 s22, s8  }
0xa2: {  	[timem:s12], [sflag:s23] =	dma.local [hbm:s10], s21  }
0xa3: {  	_ =	swait.ge [sflag:s23], s21  }
0xa4: {  	s9 =	ssub.s32 $0x0, s21;
	[sflag:s23] =	ssyncset.done $0x0  }
0xa5: {  	[sflag:s23] =	ssyncadd.s32 s9;
	_ =	sdelay $0x1  }
0xa6: {  	s24 =	simm.s32 $0x1B8B  }
0xa7: {  	_ =	swait.ge [sflag:s24], $0x1  }
0xa8: {  	[sflag:s24] =	ssyncset.done $0x0  }
0xa9: {  	s25 =	simm.s32 $0x1B8E;
	[sflag:s24] =	ssyncadd.s32 $0xFFFFFFFF  }
0xaa: {  	s26 =	simm.s32 $execute0_lowered;
	[smem:$0x3FD2] =	sst s25  }
0xab: {  	s9 =	sshll.u32 s26, $0x1;
	_ =	strace $0x80000046;
	[dreg:$0x1] =	wrdreg $0xFFFFFFFF  }
0xac: {  	s28 =	simm.s32 $_size_execute0_lowered;
	s8 =	sadd.s32 s8, s9;
	[dreg:$0x0] =	wrdreg $0x0  }
0xad: {  	s9 =	sshll.u32 s28, $0x1;
	[dreg:$0x2] =	wrdreg s8  }
0xae: {  	[dreg:$0x3] =	wrdreg s9  }
0xaf: {  	[dreg:$0x4] =	wrdreg $0xC0  }
0xb0: {  	_ =	task [dreg:s12], $0x5FFFF  }
0xb1: {  	[dreg:$0x1] =	wrdreg $0xFFFFFFFF  }
0xb2: {  	[dreg:$0x0] =	wrdreg $0x60  }
0xb3: {  	[dreg:$0x2] =	wrdreg s2  }
0xb4: {  	[dreg:$0x3] =	wrdreg s19  }
0xb5: {  	[dreg:$0x4] =	wrdreg s4  }
0xb6: {  	[dreg:$0x5] =	wrdreg s5  }
0xb7: {  	[dreg:$0x6] =	wrdreg s6  }
0xb8: {  	[dreg:$0x7] =	wrdreg s7  }
0xb9: {  	[dreg:$0x8] =	wrdreg $0x9  }
0xba: {  	_ =	task.clear_ibuf [dreg:s12], $0x9FFFF;
	_ =	strace $0x90000046  }
0xbb: {  	s29 =	simm.s32 $0x9;
	_ =	strace $0x80000048  }
0xbc: {  	_ =	swait.ge [sflag:s29], $0x1  }
0xbd: {  	[sflag:s29] =	ssyncadd.s32 $0xFFFFFFFF  }
0xbe: {  	_ =	strace $0x90000048  }
0xbf: {  	_ =	sfence  }
0xc0: {  	s30 =	sld [smem:$0x0];
	_ =	sdelay $0x2  }
0xc1: {  	s31 =	sshll.u32 s1, $0xD;
	s1 =	sshrl.u32 s1, $0x2  }
0xc2: {  	s3 =	sand.u32 $0x4000, s31;
	s1 =	sadd.s32 s1, s30  }
0xc3: {  	s0 =	sor.u32 s3, s0;
	s1 =	sshll.u32 s1, $0x11  }
0xc4: {  	s0 =	sor.u32 s1, s0  }
0xc5: {  	s0 =	sadd.s32 $0x8F2B, s0  }
0xc6: {  	[sflag:s0] =	ssyncadd.remote.s32 $0x1  }
0xc7: {  	_ =	sfence.sel $0xFFFF  }
0xc8: {  	[dreg:$0x0] =	wrdreg $0xFFFFFFFF;
	(pc) =	sbr.abs _section_cstart, $3  }
0xc9: {  	[dreg:$0x1] =	wrdreg $0xFFFFFFFF  }
0xca: {  	_ =	task.clear_ibuf [dreg:s12], $0x2FFFF;
	_ =	strace $0x9FFFFFFF  }
0xcb: {  	(tm) =	ssettm $0x7FFFFFFF  }
tec
execute0_lowered:
.L_overlay_start_1:
0x0: {  	(tag) =	ssettag $0x1  }
0x1: {  	s6 =	rddreg [dreg:$0x0]  }
0x2: {  	s7 =	rddreg [dreg:$0x1]  }
0x3: {  	s0 =	rddreg [dreg:$0x2]  }
0x4: {  	v0 =	vimm.s32 $0xFEDCBA98;
	s1 =	rddreg [dreg:$0x3];
	v1 =	vimm.s32 $0x76543210  }
0x5: {  	s2 =	rddreg [dreg:$0x4];
	v2 =	vimm.s32 $0xBA98FEDC;
	v3 =	vimm.s32 $0x32107654;
	v4 =	vimm.s32 $0xDCFE98BA  }
0x6: {  	s8 =	rddreg [dreg:$0x5];
	v5 =	vimm.s32 $0x54761032;
	v6 =	vimm.s32 $0xEFCDAB89;
	v7 =	vimm.s32 $0x67452301  }
0x7: {  	s3 =	simm.s32 $0x0;
	s4 =	srdreg.scid;
	s31 =	stileid.u32;
	v0 =	vunpack.c.l.s4.s8 v0;
	v1 =	vunpack.c.l.s4.s8 v1;
	v2 =	vunpack.c.l.s4.s8 v2  }
0x8: {  	s13 =	simm.s32 $0x6;
	s14 =	simm.s32 $0x7;
	s15 =	simm.s32 $0x80;
	v3 =	vunpack.c.l.s4.s8 v3;
	v4 =	vunpack.c.l.s4.s8 v4;
	v5 =	vunpack.c.l.s4.s8 v5  }
0x9: {  	s16 =	simm.s32 $0x400;
	s17 =	simm.s32 $0x8400;
	s18 =	simm.s32 $0x10680;
	v6 =	vunpack.c.l.s4.s8 v6;
	v7 =	vunpack.c.l.s4.s8 v7;
	v0 =	vunpack.c.0.s8.s32 v0  }
0xa: {  	s19 =	simm.s32 $0x8;
	s20 =	simm.s32 $0x0;
	s9 =	sand.u32 $0x1, s4;
	v2 =	vunpack.c.0.s8.s32 v2;
	v3 =	vunpack.c.0.s8.s32 v3;
	v4 =	vunpack.c.0.s8.s32 v4  }
0xb: {  	[smem:$0x7FF] =	sst s3;
	s12 =	sshll.u32 s31, $0x7;
	s10 =	ssub.s32 $0x2, s9;
	v5 =	vunpack.c.0.s8.s32 v5;
	v6 =	vunpack.c.0.s8.s32 v6;
	v7 =	vunpack.c.0.s8.s32 v7  }
0xc: {  	s9 =	sshll.u32 s9, $0x6;
	_ =	strace $0x80000047;
	s11 =	sshrl.u32 s10, $0x1;
	v1 =	vunpack.c.0.s8.s32 v1;
	v2 =	vcombine.low v3, v2  }
0xd: {  	s9 =	sor.u32 s9, s12;
	s12 =	simm.s32 $0x5;
	s10 =	ssub.s32 s10, s11;
	v3 =	vcombine.low v5, v4;
	v4 =	vand.u32 $0xF, v0;
	v5 =	vcombine.low v7, v6  }
0xe: {  	s6 =	sadd.s32 s6, s9;
	s7 =	sadd.s32 s7, s9;
	s8 =	sadd.s32 s8, s9;
	v0 =	vimm.f32 $0.0e+00;
	v1 =	vcombine.low v4, v1;
	v2 =	vand.u32 $0xF, v2  }
0xf: {  	s11 =	simm.s32 $0x10400;
	s9 =	smax.u32 s10, $0x1;
	s10 =	simm.s32 $0x200;
	v3 =	vand.u32 $0xF, v3;
	v4 =	vand.u32 $0xF, v5;
	v5 =	vlaneseq.u32  }
.LBB2_1:
0x10: {  	[tilespmem:s3], [sflag:$0x5] =	stream.linear.gather [hbm4b:s6+s3], $0x200, $0x38;
	[tilespmem:$0x10880] =	vst v63  }
0x11: {  	_ = 	snop  }
0x12: {  	[tilespmem:s10], [sflag:$0x6] =	stream.linear.gather [hbm4b:s7+s3], $0x200, $0x38;
	[tilespmem:$0x10880] =	vst v63  }
0x13: {  	_ = 	snop  }
0x14: {  	[tilespmem:s11], [sflag:$0x7] =	stream.linear.gather [hbm4b:s2+s3], $0x80, $0x38;
	[tilespmem:$0x10880] =	vst v63  }
0x15: {  	[tilespmem:$0x10480] =	vst v0  }
0x16: {  	[tilespmem:$0x10490] =	vst v0  }
0x17: {  	[tilespmem:$0x104A0] =	vst v0  }
0x18: {  	[tilespmem:$0x104B0] =	vst v0  }
0x19: {  	[tilespmem:$0x104C0] =	vst v0  }
0x1a: {  	[tilespmem:$0x104D0] =	vst v0  }
0x1b: {  	[tilespmem:$0x104E0] =	vst v0  }
0x1c: {  	[tilespmem:$0x104F0] =	vst v0  }
0x1d: {  	[tilespmem:$0x10500] =	vst v0  }
0x1e: {  	[tilespmem:$0x10510] =	vst v0  }
0x1f: {  	[tilespmem:$0x10520] =	vst v0  }
0x20: {  	[tilespmem:$0x10530] =	vst v0  }
0x21: {  	[tilespmem:$0x10540] =	vst v0  }
0x22: {  	[tilespmem:$0x10550] =	vst v0  }
0x23: {  	[tilespmem:$0x10560] =	vst v0  }
0x24: {  	[tilespmem:$0x10570] =	vst v0  }
0x25: {  	[tilespmem:$0x10580] =	vst v0  }
0x26: {  	[tilespmem:$0x10590] =	vst v0  }
0x27: {  	[tilespmem:$0x105A0] =	vst v0  }
0x28: {  	[tilespmem:$0x105B0] =	vst v0  }
0x29: {  	[tilespmem:$0x105C0] =	vst v0  }
0x2a: {  	[tilespmem:$0x105D0] =	vst v0  }
0x2b: {  	[tilespmem:$0x105E0] =	vst v0  }
0x2c: {  	[tilespmem:$0x105F0] =	vst v0  }
0x2d: {  	[tilespmem:$0x10600] =	vst v0  }
0x2e: {  	[tilespmem:$0x10610] =	vst v0  }
0x2f: {  	[tilespmem:$0x10620] =	vst v0  }
0x30: {  	[tilespmem:$0x10630] =	vst v0  }
0x31: {  	[tilespmem:$0x10640] =	vst v0  }
0x32: {  	[tilespmem:$0x10650] =	vst v0  }
0x33: {  	[tilespmem:$0x10660] =	vst v0  }
0x34: {  	[tilespmem:$0x10670] =	vst v0  }
0x35: {  	_ =	swait.ge [sflag:s12], $0x200  }
0x36: {  	[sflag:s12] =	ssyncset.done $0x0  }
0x37: {  	[sflag:s12] =	ssyncadd.s32 $0xFFFFFE00  }
0x38: {  	_ =	swait.ge [sflag:s13], $0x200  }
0x39: {  	[sflag:s13] =	ssyncset.done $0x0  }
0x3a: {  	[sflag:s13] =	ssyncadd.s32 $0xFFFFFE00  }
0x3b: {  	_ =	swait.ge [sflag:s14], $0x80  }
0x3c: {  	[sflag:s14] =	ssyncset.done $0x0  }
0x3d: {  	[sflag:s14] =	ssyncadd.s32 $0xFFFFFF80  }
0x3e: {  	v6 =	vld [tilespmem:$0x10400]  }
0x3f: {  	v7 =	vld [tilespmem:$0x10410]  }
0x40: {  	v8 =	vld [tilespmem:$0x10420]  }
0x41: {  	v9 =	vld [tilespmem:$0x10430]  }
0x42: {  	v10 =	vld [tilespmem:$0x10440]  }
0x43: {  	v11 =	vld [tilespmem:$0x10450]  }
0x44: {  	v12 =	vld [tilespmem:$0x10460]  }
0x45: {  	v13 =	vld [tilespmem:$0x10470];
	[tilespmem:s16], [sflag:$0x1] =	stream.indirect.gather [hbm4b:s0+s15], $0x80, s3, s15, $0xb8  }
0x46: {  	s21 =	simm.s32 $0x0;
	s22 =	simm.s32 $0x0  }
0x47: {  	[tilespmem:s17], [sflag:$0x2] =	stream.indirect.gather [hbm4b:s1+s15], $0x80, s10, s15, $0xb8;
	[tilespmem:$0x10880] =	vst v63  }
.LBB2_2:
0x48: {  	s24 =	sand.u32 $0x1F, s22  }
0x49: {  	p0 =	sne.s32 s24, $0x0  }
0x4a: {  	s23 =	sshrl.u32 s22, $0x5;
	p1 =	sgt.u32 @!p0 s22, $0x5F  }
0x4b: {  	s25 =	sand.u32 $0x1, s23;
	p1 =	por p1, p0  }
0x4c: {  	s26 =	sxor.u32 @!p1 $0x1, s25;
	s29 =	sshll.u32 @!p1 s23, $0x7  }
0x4d: {  	s5 =	simm.s32 @!p1 $0x80;
	s28 =	sshll.u32 @!p1 s26, $0xE;
	s31 =	sadd.s32 @!p1 $0x80, s29  }
0x4e: {  	s4 =	sshll.u32 @!p1 s26, $0x1;
	s26 =	sshllo.u32 @!p1 s26, $0x1;
	s30 =	sor.u32 @!p1 $0x400, s28  }
0x4f: {  	[tilespmem:s30], [sflag:s26] =	stream.indirect.gather @!p1 [hbm4b:s0+s5], $0x80, s31, s5, $0xb8;
	[tilespmem:$0x10880] =	vst v63  }
0x50: {  	s4 =	sadd.s32 @!p1 $0x2, s4;
	s26 =	sor.u32 @!p1 $0x8400, s28;
	s28 =	sadd.s32 @!p1 $0x280, s29  }
0x51: {  	[tilespmem:s26], [sflag:s4] =	stream.indirect.gather @!p1 [hbm4b:s1+s5], $0x80, s28, s5, $0xb8;
	[tilespmem:$0x10880] =	vst v63  }
0x52: {  	s4 =	sshllo.u32 @!p0 s25, $0x1  }
0x53: {  	_ =	swait.ge @!p0 [sflag:s4], $0x4000  }
0x54: {  	s5 =	sshll.u32 @!p0 s25, $0x1;
	[sflag:s4] =	ssyncset.done @!p0 $0x0  }
0x55: {  	[sflag:s4] =	ssyncadd.s32 @!p0 $0xFFFFC000;
	s4 =	sadd.s32 @!p0 $0x2, s5  }
0x56: {  	s31 =	sshll.u32 s25, $0xE;
	_ =	swait.ge @!p0 [sflag:s4], $0x4000  }
0x57: {  	s26 =	sshll.u32 s24, $0x9;
	s25 =	sor.u32 $0x400, s31;
	[sflag:s4] =	ssyncset.done @!p0 $0x0  }
0x58: {  	s24 =	sor.u32 $0x8400, s31;
	s28 =	sadd.s32 s26, s25;
	[sflag:s4] =	ssyncadd.s32 @!p0 $0xFFFFC000  }
0x59: {  	s29 =	sadd.s32 s26, s24;
	s30 =	sor.u32 $0x10, s26;
	v14 =	vld [tilespmem:s28+$0x0]  }
0x5a: {  	s31 =	sadd.s32 s30, s25;
	v15 =	vld [tilespmem:s29+$0x0]  }
0x5b: {  	s5 =	sadd.s32 s30, s24;
	v16 =	vld [tilespmem:s31+$0x0];
	s28 =	sor.u32 $0x20, s26  }
0x5c: {  	v17 =	vld [tilespmem:s5+$0x0];
	s29 =	sadd.s32 s28, s25  }
0x5d: {  	s31 =	sor.u32 $0x30, s26;
	s30 =	sadd.s32 s28, s24;
	v18 =	vld [tilespmem:s29+$0x0]  }
0x5e: {  	s28 =	sadd.s32 s31, s25;
	v19 =	vld [tilespmem:s30+$0x0]  }
0x5f: {  	v20 =	vld [tilespmem:s28+$0x0];
	s29 =	sadd.s32 s31, s24;
	s30 =	sor.u32 $0x40, s26  }
0x60: {  	v21 =	vld [tilespmem:s29+$0x0];
	s31 =	sadd.s32 s30, s25  }
0x61: {  	s28 =	sor.u32 $0x50, s26;
	s5 =	sadd.s32 s30, s24;
	v22 =	vld [tilespmem:s31+$0x0]  }
0x62: {  	s29 =	sadd.s32 s28, s25;
	v23 =	vld [tilespmem:s5+$0x0]  }
0x63: {  	s30 =	sadd.s32 s28, s24;
	v24 =	vld [tilespmem:s29+$0x0];
	s31 =	sor.u32 $0x60, s26  }
0x64: {  	v25 =	vld [tilespmem:s30+$0x0];
	s28 =	sadd.s32 s31, s25  }
0x65: {  	s30 =	sor.u32 $0x70, s26;
	s29 =	sadd.s32 s31, s24;
	v26 =	vld [tilespmem:s28+$0x0]  }
0x66: {  	s31 =	sadd.s32 s30, s25;
	v27 =	vld [tilespmem:s29+$0x0]  }
0x67: {  	s5 =	sadd.s32 s30, s24;
	v28 =	vld [tilespmem:s31+$0x0];
	s28 =	sor.u32 $0x80, s26  }
0x68: {  	v29 =	vld [tilespmem:s5+$0x0];
	s29 =	sadd.s32 s28, s25  }
0x69: {  	s31 =	sor.u32 $0x90, s26;
	s30 =	sadd.s32 s28, s24;
	v30 =	vld [tilespmem:s29+$0x0]  }
0x6a: {  	s28 =	sadd.s32 s31, s25;
	v31 =	vld [tilespmem:s30+$0x0]  }
0x6b: {  	v32 =	vld [tilespmem:s28+$0x0];
	s29 =	sadd.s32 s31, s24;
	s30 =	sor.u32 $0xA0, s26  }
0x6c: {  	v33 =	vld [tilespmem:s29+$0x0];
	s31 =	sadd.s32 s30, s25  }
0x6d: {  	s28 =	sor.u32 $0xB0, s26;
	s5 =	sadd.s32 s30, s24;
	v34 =	vld [tilespmem:s31+$0x0]  }
0x6e: {  	s29 =	sadd.s32 s28, s25;
	v35 =	vld [tilespmem:s5+$0x0]  }
0x6f: {  	s30 =	sadd.s32 s28, s24;
	v36 =	vld [tilespmem:s29+$0x0];
	s31 =	sor.u32 $0xC0, s26  }
0x70: {  	v37 =	vld [tilespmem:s30+$0x0];
	s28 =	sadd.s32 s31, s25  }
0x71: {  	s30 =	sor.u32 $0xD0, s26;
	s29 =	sadd.s32 s31, s24;
	v38 =	vld [tilespmem:s28+$0x0]  }
0x72: {  	s31 =	sadd.s32 s30, s25;
	v39 =	vld [tilespmem:s29+$0x0]  }
0x73: {  	s5 =	sadd.s32 s30, s24;
	v40 =	vld [tilespmem:s31+$0x0];
	s28 =	sor.u32 $0xE0, s26  }
0x74: {  	v41 =	vld [tilespmem:s5+$0x0];
	s29 =	sadd.s32 s28, s25  }
0x75: {  	s31 =	sor.u32 $0xF0, s26;
	s30 =	sadd.s32 s28, s24;
	v42 =	vld [tilespmem:s29+$0x0]  }
0x76: {  	s28 =	sadd.s32 s31, s25;
	v43 =	vld [tilespmem:s30+$0x0]  }
0x77: {  	v44 =	vld [tilespmem:s28+$0x0];
	s29 =	sadd.s32 s31, s24;
	s30 =	sor.u32 $0x100, s26  }
0x78: {  	v45 =	vld [tilespmem:s29+$0x0];
	s31 =	sadd.s32 s30, s25  }
0x79: {  	s28 =	sor.u32 $0x110, s26;
	s5 =	sadd.s32 s30, s24;
	v46 =	vld [tilespmem:s31+$0x0]  }
0x7a: {  	s29 =	sadd.s32 s28, s25;
	v47 =	vld [tilespmem:s5+$0x0]  }
0x7b: {  	s30 =	sadd.s32 s28, s24;
	v48 =	vld [tilespmem:s29+$0x0];
	s31 =	sor.u32 $0x120, s26  }
0x7c: {  	v49 =	vld [tilespmem:s30+$0x0];
	s28 =	sadd.s32 s31, s25  }
0x7d: {  	v14 =	vmul.f32 v15, v14;
	s30 =	sor.u32 $0x130, s26;
	s29 =	sadd.s32 s31, s24;
	v50 =	vld [tilespmem:s28+$0x0]  }
0x7e: {  	v16 =	vmul.f32 v17, v16;
	s31 =	sadd.s32 s30, s25;
	v15 =	vld [tilespmem:s29+$0x0]  }
0x7f: {  	v14 =	vmul.f32 v14, v6;
	v18 =	vmul.f32 v19, v18;
	s5 =	sadd.s32 s30, s24;
	v17 =	vld [tilespmem:s31+$0x0];
	s28 =	sor.u32 $0x140, s26  }
0x80: {  	v16 =	vmul.f32 v16, v7;
	v20 =	vmul.f32 v21, v20;
	v19 =	vld [tilespmem:s5+$0x0];
	s29 =	sadd.s32 s28, s25  }
0x81: {  	v14 =	vadd.f32 $0.0e+00, v14;
	v22 =	vmul.f32 v23, v22;
	v59 =	vmul.f32 v31, v30;
	s31 =	sor.u32 $0x150, s26;
	s30 =	sadd.s32 s28, s24;
	v30 =	vld [tilespmem:s29+$0x0]  }
0x82: {  	v61 =	vmul.f32 v18, v8;
	v62 =	vmul.f32 v25, v24;
	s28 =	sadd.s32 s31, s25;
	v23 =	vld [tilespmem:s30+$0x0]  }
0x83: {  	v52 =	vmul.f32 v20, v9;
	v14 =	vadd.f32 v16, v14;
	v60 =	vmul.f32 v33, v32;
	v32 =	vld [tilespmem:s28+$0x0];
	s29 =	sadd.s32 s31, s24;
	s30 =	sor.u32 $0x160, s26  }
0x84: {  	v53 =	vmul.f32 v27, v26;
	v56 =	vmul.f32 v22, v10;
	v24 =	vld [tilespmem:s29+$0x0];
	s31 =	sadd.s32 s30, s25  }
0x85: {  	v57 =	vmul.f32 v29, v28;
	v14 =	vadd.f32 v61, v14;
	v61 =	vmul.f32 v62, v11;
	s28 =	sor.u32 $0x170, s26;
	s5 =	sadd.s32 s30, s24;
	v33 =	vld [tilespmem:s31+$0x0]  }
0x86: {  	v21 =	vmul.f32 v59, v6;
	v51 =	vmul.f32 v35, v34;
	s29 =	sadd.s32 s28, s25;
	v26 =	vld [tilespmem:s5+$0x0]  }
0x87: {  	v55 =	vmul.f32 v37, v36;
	v63 =	vmul.f32 v60, v7;
	s30 =	sadd.s32 s28, s24;
	v31 =	vld [tilespmem:s29+$0x0];
	s31 =	sor.u32 $0x180, s26  }
0x88: {  	v21 =	vadd.f32 $0.0e+00, v21;
	v54 =	vmul.f32 v51, v8;
	v59 =	vmul.f32 v39, v38;
	v28 =	vld [tilespmem:s30+$0x0];
	s28 =	sadd.s32 s31, s25  }
0x89: {  	v14 =	vadd.f32 v52, v14;
	v58 =	vmul.f32 v55, v9;
	v62 =	vmul.f32 v41, v40;
	s30 =	sor.u32 $0x190, s26;
	s29 =	sadd.s32 s31, s24;
	v60 =	vld [tilespmem:s28+$0x0]  }
0x8a: {  	v21 =	vadd.f32 v63, v21;
	v40 =	vmul.f32 v59, v10;
	v41 =	vmul.f32 v43, v42;
	s31 =	sadd.s32 s30, s25;
	v63 =	vld [tilespmem:s29+$0x0]  }
0x8b: {  	v14 =	vadd.f32 v56, v14;
	v43 =	vmul.f32 v53, v12;
	v18 =	vmul.f32 v62, v11;
	s5 =	sadd.s32 s30, s24;
	v42 =	vld [tilespmem:s31+$0x0];
	s28 =	sor.u32 $0x1A0, s26  }
0x8c: {  	v20 =	vmul.f32 v45, v44;
	v21 =	vadd.f32 v54, v21;
	v45 =	vmul.f32 v47, v46;
	v44 =	vld [tilespmem:s5+$0x0];
	s29 =	sadd.s32 s28, s25  }
0x8d: {  	v14 =	vadd.f32 v61, v14;
	v47 =	vmul.f32 v57, v13;
	v48 =	vmul.f32 v49, v48;
	s31 =	sor.u32 $0x1B0, s26;
	s30 =	sadd.s32 s28, s24;
	v46 =	vld [tilespmem:s29+$0x0]  }
0x8e: {  	v51 =	vmul.f32 v41, v12;
	v21 =	vadd.f32 v58, v21;
	v54 =	vmul.f32 v45, v6;
	s28 =	sadd.s32 s31, s25;
	v49 =	vld [tilespmem:s30+$0x0]  }
0x8f: {  	v14 =	vadd.f32 v43, v14;
	v15 =	vmul.f32 v15, v50;
	v53 =	vld [tilespmem:s28+$0x0];
	s29 =	sadd.s32 s31, s24;
	s30 =	sor.u32 $0x1C0, s26;
	v52 =	vmul.f32 v63, v60  }
0x90: {  	v22 =	vmul.f32 v48, v7;
	v17 =	vmul.f32 v19, v17;
	v21 =	vadd.f32 v40, v21;
	v55 =	vld [tilespmem:s29+$0x0];
	s31 =	sadd.s32 s30, s25  }
0x91: {  	v14 =	vadd.f32 v47, v14;
	s28 =	sor.u32 $0x1D0, s26;
	s5 =	sadd.s32 s30, s24;
	v58 =	vld [tilespmem:s31+$0x0];
	v57 =	vmul.f32 v44, v42;
	v56 =	vmul.f32 v52, v6  }
0x92: {  	v47 =	vmul.f32 v20, v13;
	v16 =	vadd.f32 $0.0e+00, v54;
	v18 =	vadd.f32 v18, v21;
	s29 =	sadd.s32 s28, s25;
	v59 =	vld [tilespmem:s5+$0x0]  }
0x93: {  	s30 =	sadd.s32 s28, s24;
	v61 =	vld [tilespmem:s29+$0x0];
	s31 =	sor.u32 $0x1E0, s26;
	v27 =	vmul.f32 v57, v7;
	v60 =	vmul.f32 v49, v46;
	v21 =	vadd.f32 $0.0e+00, v56  }
0x94: {  	v15 =	vmul.f32 v15, v8;
	v62 =	vmul.f32 v23, v30;
	v16 =	vadd.f32 v22, v16;
	v63 =	vld [tilespmem:s30+$0x0];
	s28 =	sadd.s32 s31, s25  }
0x95: {  	s29 =	sadd.s32 s31, s24;
	s30 =	sor.u32 $0x1F0, s26;
	v37 =	vld [tilespmem:s28+$0x0];
	v25 =	vmul.f32 v55, v53;
	v35 =	vmul.f32 v60, v8;
	v21 =	vadd.f32 v27, v21  }
0x96: {  	v38 =	vmul.f32 v17, v9;
	v39 =	vmul.f32 v24, v32;
	v15 =	vadd.f32 v15, v16;
	v40 =	vld [tilespmem:s29+$0x0];
	s31 =	sadd.s32 s30, s25  }
0x97: {  	s25 =	sadd.s32 s30, s24;
	v41 =	vld [tilespmem:s31+$0x0];
	v19 =	vmul.f32 v59, v58;
	v25 =	vmul.f32 v25, v9;
	v21 =	vadd.f32 v35, v21  }
0x98: {  	v43 =	vmul.f32 v26, v33;
	v42 =	vmul.f32 v62, v10;
	v15 =	vadd.f32 v38, v15;
	v44 =	vld [tilespmem:s25+$0x0]  }
0x99: {  	v23 =	vmul.f32 v63, v61;
	v19 =	vmul.f32 v19, v10;
	v21 =	vadd.f32 v25, v21  }
0x9a: {  	v45 =	vmul.f32 v28, v31;
	v17 =	vmul.f32 v39, v11;
	v15 =	vadd.f32 v42, v15  }
0x9b: {  	v46 =	vmul.f32 v40, v37;
	v23 =	vmul.f32 v23, v11;
	v19 =	vadd.f32 v19, v21  }
0x9c: {  	v18 =	vadd.f32 v51, v18;
	v48 =	vmul.f32 v43, v12;
	v15 =	vadd.f32 v17, v15  }
0x9d: {  	v49 =	vmul.f32 v44, v41;
	v21 =	vmul.f32 v46, v12;
	v19 =	vadd.f32 v23, v19  }
0x9e: {  	v16 =	vmul.f32 v45, v13;
	v15 =	vadd.f32 v48, v15  }
0x9f: {  	v17 =	vadd.f32 v47, v18;
	v51 =	vmul.f32 v49, v13;
	v19 =	vadd.f32 v21, v19  }
0xa0: {  	v50 =	vperm.xlane v14, v1;
	v15 =	vadd.f32 v16, v15  }
0xa1: {  	v52 =	vperm.xlane v17, v1;
	v53 =	vadd.f32 v51, v19  }
0xa2: {  	v14 =	vadd.f32 v14, v50;
	v54 =	vperm.xlane v15, v1  }
0xa3: {  	v17 =	vadd.f32 v17, v52;
	v20 =	vperm.xlane v53, v1  }
0xa4: {  	v55 =	vperm.xlane v14, v2;
	v15 =	vadd.f32 v15, v54  }
0xa5: {  	v21 =	vperm.xlane v17, v2;
	v16 =	vadd.f32 v53, v20  }
0xa6: {  	v14 =	vadd.f32 v14, v55;
	v18 =	vperm.xlane v15, v2  }
0xa7: {  	v17 =	vadd.f32 v17, v21;
	v20 =	vperm.xlane v16, v2  }
0xa8: {  	v19 =	vperm.xlane v14, v3;
	v15 =	vadd.f32 v15, v18  }
0xa9: {  	s26 =	sand.u32 $0xC, s21;
	v21 =	vperm.xlane v17, v3;
	v16 =	vadd.f32 v16, v20  }
0xaa: {  	s31 =	sor.u32 $0x2, s26;
	v14 =	vadd.f32 v14, v19;
	v18 =	vperm.xlane v15, v3  }
0xab: {  	v62 =	vmov s31;
	v17 =	vadd.f32 v17, v21;
	v20 =	vperm.xlane v16, v3  }
0xac: {  	s28 =	sshll.u32 s23, $0x7;
	s29 =	sor.u32 $0x1, s26;
	v56 =	vmov s26;
	v19 =	vperm.xlane v14, v4;
	v15 =	vadd.f32 v15, v18  }
0xad: {  	s30 =	sand.u32 $0x70, s21;
	s5 =	sand.u32 $0x3FFFFF80, s28;
	v58 =	vmov s29;
	v57 =	vperm.xlane v17, v4;
	v16 =	vadd.f32 v16, v20  }
0xae: {  	s5 =	sor.u32 s30, s5;
	vm14 =	veq.s32 v62, v5;
	v14 =	vadd.f32 v14, v19;
	v59 =	vperm.xlane v15, v4  }
0xaf: {  	vm0 =	veq.s32 v56, v5;
	v61 =	vld [tilespmem:s5+$0x10480];
	v17 =	vadd.f32 v17, v57;
	v60 =	vperm.xlane v16, v4  }
0xb0: {  	s22 =	sadd.s32 $0x1, s22;
	s4 =	sor.u32 $0x3, s26;
	vm13 =	veq.s32 v58, v5;
	v14 =	vnsel vm0, $0x0, v14;
	v15 =	vadd.f32 v15, v59  }
0xb1: {  	p0 =	sne.s32 s22, $0x80;
	v63 =	vmov s4;
	v14 =	vsel vm13, v17, v14;
	v16 =	vadd.f32 v16, v60  }
.Ltmp0:
0xb2: {  	vm15 =	veq.s32 v63, v5;
	v14 =	vsel vm14, v15, v14;
	(pc) =	sbr.rel @p0 .LBB2_2-.Ltmp0, $3  }
0xb3: {  	v14 =	vsel vm15, v16, v14  }
0xb4: {  	v14 =	vadd.f32 v14, v61;
	_ =	sdelay $0x1  }
0xb5: {  	s21 =	sadd.s32 $0x4, s21;
	[tilespmem:s5+$0x10480] =	vst v14  }
0xb6: {  	s21 =	simm.s32 $0x0  }
0xb7: {  	v6 =	vld [tilespmem:s21+$0x10480];
	_ =	sdelay $0x1  }
0xb8: {  	s22 =	simm.s32 $0x10  }
0xb9: {  	v7 =	vld [tilespmem:s22+$0x10480];
	_ =	sdelay $0x1  }
0xba: {  	v6 =	vsub.f32 $0.0e+00, v6;
	_ =	sdelay $0x1  }
0xbb: {  	v6 =	vmul.f32 $1.442695020e+00, v6  }
0xbc: {  	v7 =	vsub.f32 $0.0e+00, v7  }
0xbd: {  	s23 =	simm.s32 $0x20;
	(erf) = vpow2.f32 v6  }
0xbe: {  	v6 =	vmul.f32 $1.442695020e+00, v7;
	v7 =	vld [tilespmem:s23+$0x10480];
	_ =	sdelay $0x1  }
0xbf: {  	(erf) = vpow2.f32 v6  }
0xc0: {  	s24 =	simm.s32 $0x30  }
0xc1: {  	v6 =	vld [tilespmem:s24+$0x10480]  }
0xc2: {  	v7 =	vsub.f32 $0.0e+00, v7;
	_ =	sdelay $0x1  }
0xc3: {  	v7 =	vmul.f32 $1.442695020e+00, v7  }
0xc4: {  	v8 =	vpop (erf)  }
0xc5: {  	v6 =	vsub.f32 $0.0e+00, v6;
	v8 =	vadd.f32 $1.000000000e+00, v8  }
0xc6: {  	(erf) = vpow2.f32 v7  }
0xc7: {  	v6 =	vmul.f32 $1.442695020e+00, v6;
	v7 =	vpop (erf);
	(erf) = vrcp.f32 v8  }
0xc8: {  	s25 =	simm.s32 $0x40;
	v7 =	vadd.f32 $1.000000000e+00, v7  }
0xc9: {  	(erf) = vpow2.f32 v6;
	v6 =	vld [tilespmem:s25+$0x10480]  }
0xca: {  	(erf) = vrcp.f32 v7;
	_ =	sdelay $0x2  }
0xcb: {  	s26 =	simm.s32 $0x140  }
.LBB2_4:
0xcc: {  	s4 =	sshra.s32 s26, $0x2;
	v7 =	vsub.f32 $0.0e+00, v6;
	p0 =	sne.s32 s26, $0x7C0  }
.Ltmp1:
0xcd: {  	s26 =	sadd.s32 $0x40, s26;
	v6 =	vld [tilespmem:s4+$0x10480];
	v8 =	vpop (erf);
	(pc) =	sbr.rel @p0 .LBB2_4-.Ltmp1, $4  }
0xce: {  	v7 =	vmul.f32 $1.442695020e+00, v7;
	v9 =	vpop (erf)  }
0xcf: {  	v8 =	vadd.f32 $1.000000000e+00, v8;
	[tilespmem:s21+$0x10680] =	vst v9;
	s21 =	smov.u32 s22;
	s22 =	smov.u32 s23;
	s23 =	smov.u32 s24  }
0xd0: {  	s24 =	smov.u32 s25;
	s25 =	smov.u32 s4;
	(erf) = vpow2.f32 v7  }
0xd1: {  	(erf) = vrcp.f32 v8  }
0xd2: {  	v6 =	vsub.f32 $0.0e+00, v6;
	_ =	sdelay $0x1  }
0xd3: {  	v6 =	vmul.f32 $1.442695020e+00, v6;
	_ =	sdelay $0x1  }
0xd4: {  	(erf) = vpow2.f32 v6;
	_ =	sdelay $0x4  }
0xd5: {  	v6 =	vpop (erf)  }
0xd6: {  	v7 =	vpop (erf)  }
0xd7: {  	v8 =	vpop (erf)  }
0xd8: {  	v6 =	vadd.f32 $1.000000000e+00, v6;
	v9 =	vpop (erf)  }
0xd9: {  	v8 =	vadd.f32 $1.000000000e+00, v8;
	v10 =	vpop (erf)  }
0xda: {  	(erf) = vrcp.f32 v6;
	v6 =	vadd.f32 $1.000000000e+00, v10  }
0xdb: {  	(erf) = vrcp.f32 v8  }
0xdc: {  	(erf) = vrcp.f32 v6;
	_ =	sdelay $0x5  }
0xdd: {  	[tilespmem:s21+$0x10680] =	vst v7  }
0xde: {  	[tilespmem:s22+$0x10680] =	vst v9;
	v6 =	vpop (erf)  }
0xdf: {  	s20 =	sadd.s32 $0x1, s20;
	[tilespmem:s23+$0x10680] =	vst v6;
	v6 =	vpop (erf)  }
0xe0: {  	p0 =	sne.s32 s20, s9;
	[tilespmem:s24+$0x10680] =	vst v6;
	v6 =	vpop (erf)  }
.Ltmp2:
0xe1: {  	[tilespmem:s25+$0x10680] =	vst v6;
	(pc) =	sbr.rel @p0 .LBB2_1-.Ltmp2, $4  }
0xe2: {  	[hbm4b:s8+s3] =	stream.linear.scatter [tilespmem:s18], [sflag:$0x8], $0x200, $0x38;
	[tilespmem:$0x10880] =	vst v63  }
0xe3: {  	_ =	swait.ge [sflag:s19], $0x200  }
0xe4: {  	[sflag:s19] =	ssyncset.done $0x0  }
0xe5: {  	[sflag:s19] =	ssyncadd.s32 $0xFFFFFE00  }
0xe6: {  	_ =	sfence.sel $0x180000  }
0xe7: {  	[bflag:$0x0] =	sbarrier.arrive $0xFFFF  }
0xe8: {  	_ =	strace $0x90000047  }
0xe9: {  	s0 =	stileid.u32;
	[bflag:$0x2] =	sbarrier.arrive $0xFFFF  }
0xea: {  	p0 =	sne.s32 s0, $0x0;
	s0 =	rddreg [dreg:$0x6]  }
0xeb: {  	s0 =	sadd.s32 @!p0 $0x100000, s0  }
0xec: {  	[sflag:s0] =	ssyncadd.tile.s32 @!p0 $0x1;
	_ =	shalt  }
.Lfunc_end2:
_tile_overlayer_lowered:
.L_overlay_start_2:
0xed: {  	(tag) =	ssettag $0x2  }
0xee: {  	s0 =	rddreg [dreg:$0x0];
	s2 =	stileid.u32  }
0xef: {  	s1 =	rddreg [dreg:$0x1];
	p0 =	sne.s32 s2, $0x0  }
0xf0: {  	s3 =	rddreg [dreg:$0x2];
	[bflag:$0x3] =	sbarrier.arrive $0xFFFF;
	s2 =	simm.s32 @!p0 $0x1C08  }
0xf1: {  	[timem:s3], [sflag:s2] =	dma.local @!p0 [hbm:s0], s1  }
0xf2: {  	s0 =	simm.s32 @!p0 $0x8  }
0xf3: {  	_ =	swait.ge @!p0 [sflag:s0], s1  }
0xf4: {  	s1 =	ssub.s32 @!p0 $0x0, s1;
	[sflag:s0] =	ssyncset.done @!p0 $0x0  }
0xf5: {  	[sflag:s0] =	ssyncadd.s32 @!p0 s1  }
0xf6: {  	[bflag:$0x3] =	sbarrier.arrive $0xFFFF  }
0xf7: {  	_ =	shalt  }

</sc_bundles>
